<compile_context>
chip_gen: v7x
topology: tpu7x:2x2x1
jax: 0.10.2.dev20260603
libtpu: 0.0.44.dev20260713+nightly
codegen_flags: <defaults>
</compile_context>

<pallas_src>
import functools

import jax
import jax.numpy as jnp
from jax import lax
from jax.experimental import pallas as pl
from jax.experimental.pallas import tpu as pltpu
from jax.experimental.pallas import tpu_sc as plsc

N_USERS = 1000000
N_ITEMS = 1000000
N_FACTORS = 32
BATCH = 16384

NUM_CORES = 2
NUM_SUBCORES = 16
LANES = 16
NUM_WORKERS = NUM_CORES * NUM_SUBCORES
B_PER_W = BATCH // NUM_WORKERS
CHUNK = 128
N_CHUNKS = B_PER_W // CHUNK
BLOCKS = B_PER_W // LANES


@functools.partial(
    pl.kernel,
    mesh=plsc.VectorSubcoreMesh(core_axis_name="c", subcore_axis_name="s"),
    out_type=jax.ShapeDtypeStruct((BATCH,), jnp.float32),
    compiler_params=pltpu.CompilerParams(
        needs_layout_passes=False, use_tc_tiling_on_sc=False,
        disable_bounds_checks=True, skip_device_barrier=True),
    scratch_types=[
        pltpu.VMEM((N_CHUNKS, CHUNK), jnp.int32),
        pltpu.VMEM((N_CHUNKS, CHUNK), jnp.int32),
        pltpu.VMEM((B_PER_W, N_FACTORS), jnp.float32),
        pltpu.VMEM((B_PER_W, N_FACTORS), jnp.float32),
        pltpu.VMEM((B_PER_W,), jnp.float32),
        pltpu.VMEM((B_PER_W,), jnp.float32),
        pltpu.VMEM((B_PER_W,), jnp.float32),
        pltpu.SemaphoreType.DMA,
    ],
)
def _sc_kernel(user_t, item_t, ubias_t, ibias_t, uid, iid, out,
               uidx, iidx, urows, irows, ubias, ibias, outv, sem):
    wid = lax.axis_index("s") * NUM_CORES + lax.axis_index("c")

    row0 = wid * N_CHUNKS
    pltpu.sync_copy(uid.at[pl.ds(row0, N_CHUNKS)], uidx)
    pltpu.sync_copy(iid.at[pl.ds(row0, N_CHUNKS)], iidx)

    copies = []
    for j in range(N_CHUNKS):
        copies.append(pltpu.async_copy(
            user_t.at[uidx.at[j]], urows.at[pl.ds(j * CHUNK, CHUNK)], sem))
        copies.append(pltpu.async_copy(
            item_t.at[iidx.at[j]], irows.at[pl.ds(j * CHUNK, CHUNK)], sem))
        copies.append(pltpu.async_copy(
            ubias_t.at[uidx.at[j]], ubias.at[pl.ds(j * CHUNK, CHUNK)], sem))
        copies.append(pltpu.async_copy(
            ibias_t.at[iidx.at[j]], ibias.at[pl.ds(j * CHUNK, CHUNK)], sem))
    for c in copies:
        c.wait()

    lane = lax.iota(jnp.int32, LANES)

    def block_body(bb, _):
        o0 = bb * LANES
        acc = ubias[pl.ds(o0, LANES)] + ibias[pl.ds(o0, LANES)]
        for k in range(LANES):
            r = o0 + k
            prod = (urows[r, pl.ds(0, LANES)] * irows[r, pl.ds(0, LANES)]
                    + urows[r, pl.ds(LANES, LANES)] * irows[r, pl.ds(LANES, LANES)])
            acc = jnp.where(lane == k, jnp.sum(prod), acc)
        outv[pl.ds(o0, LANES)] = acc
        return 0

    lax.fori_loop(0, BLOCKS, block_body, 0)
    pltpu.sync_copy(outv, out.at[pl.ds(wid * B_PER_W, B_PER_W)])


def kernel(user_table, item_table, user_bias_table, item_bias_table,
           user_id, item_id):
    uid2d = user_id.astype(jnp.int32).reshape(BATCH // CHUNK, CHUNK)
    iid2d = item_id.astype(jnp.int32).reshape(BATCH // CHUNK, CHUNK)
    out = _sc_kernel(user_table, item_table,
                     user_bias_table.reshape(-1), item_bias_table.reshape(-1),
                     uid2d, iid2d)
    return out.reshape(BATCH, 1)

# --- scband reference (transcript-rebuilt; emitter-appended) ---
"""Pipeline reference for scband-linear-52656299049287 (READ-ONLY COPY).

The authoritative reference and input builder live on the scoring server;
editing this copy changes nothing except your own understanding.
"""

import jax, jax.numpy as jnp
import numpy as np

N_USERS = 1000000
N_ITEMS = 1000000
N_FACTORS = 32
BATCH = 16384


def setup_inputs(seed: int = 0) -> dict:
    key = jax.random.key(seed)
    k0, k1, k2, k3 = jax.random.split(key, 4)
    user_id = jax.random.randint(k0, (BATCH,), 0, N_USERS, dtype=jnp.int64 if jax.config.jax_enable_x64 else jnp.int32)
    item_id = jax.random.randint(k1, (BATCH,), 0, N_ITEMS, dtype=jnp.int64 if jax.config.jax_enable_x64 else jnp.int32)
    # ScaledEmbedding: normal(0, 1/embedding_dim)
    user_table = jax.random.normal(k2, (N_USERS, N_FACTORS), dtype=jnp.float32) * (1.0 / N_FACTORS)
    item_table = jax.random.normal(k3, (N_ITEMS, N_FACTORS), dtype=jnp.float32) * (1.0 / N_FACTORS)
    # ZeroEmbedding: zero-initialized bias tables
    user_bias_table = jnp.zeros((N_USERS, 1), dtype=jnp.float32)
    item_bias_table = jnp.zeros((N_ITEMS, 1), dtype=jnp.float32)
    return {
        "user_table": user_table,
        "item_table": item_table,
        "user_bias_table": user_bias_table,
        "item_bias_table": item_bias_table,
        "user_id": user_id,
        "item_id": item_id,
    }


def reference(user_table, item_table, user_bias_table, item_bias_table, user_id, item_id):
    # Embedding lookups (gather)
    user_embedding = jnp.take(user_table, user_id, axis=0)      # [B, F]
    item_embedding = jnp.take(item_table, item_id, axis=0)      # [B, F]
    user_bias = jnp.take(user_bias_table, user_id, axis=0)      # [B, 1]
    item_bias = jnp.take(item_bias_table, item_id, axis=0)      # [B, 1]
    # Dot product of user and item embeddings plus biases (use_metadata=False path)
    net = jnp.sum(user_embedding * item_embedding, axis=1).reshape(-1, 1) + user_bias + item_bias
    return net

if __name__ == "__main__":
    import jax
    _d = setup_inputs()
    print(jax.jit(kernel)(*tuple(_d.values())))

</pallas_src>

<mosaic_0001>
#map = affine_map<(d0, d1) -> (0, 0)>
#map1 = affine_map<(d0, d1) -> (0)>
module attributes {stable_mosaic.version = 14 : i64} {
  func.func @_sc_kernel(%arg0: i32, %arg1: i32, %arg2: memref<1000000x32xf32, #tpu.memory_space<hbm>>, %arg3: memref<1000000x32xf32, #tpu.memory_space<hbm>>, %arg4: memref<1000000xf32, #tpu.memory_space<hbm>>, %arg5: memref<1000000xf32, #tpu.memory_space<hbm>>, %arg6: memref<128x128xi32, #tpu.memory_space<hbm>>, %arg7: memref<128x128xi32, #tpu.memory_space<hbm>>, %arg8: memref<16384xf32, #tpu.memory_space<hbm>>, %arg9: memref<4x128xi32, #tpu.memory_space<vmem>>, %arg10: memref<4x128xi32, #tpu.memory_space<vmem>>, %arg11: memref<512x32xf32, #tpu.memory_space<vmem>>, %arg12: memref<512x32xf32, #tpu.memory_space<vmem>>, %arg13: memref<512xf32, #tpu.memory_space<vmem>>, %arg14: memref<512xf32, #tpu.memory_space<vmem>>, %arg15: memref<512xf32, #tpu.memory_space<vmem>>, %arg16: memref<!tpu.dma_semaphore, #tpu.memory_space<semaphore_mem>>) attributes {dimension_semantics = [#tpu.dimension_semantics<core_parallel>, #tpu.dimension_semantics<subcore_parallel>], iteration_bounds = array<i64: 2, 16>, scalar_prefetch = 0 : i64, scratch_operands = 8 : i64, tpu.core_type = #tpu.core_type<sc_vector_subcore>, window_params = [{transform_indices = #map}, {transform_indices = #map}, {transform_indices = #map1}, {transform_indices = #map1}, {transform_indices = #map}, {transform_indices = #map}, {transform_indices = #map1}]} {
    %mul3A = arith.constant 2 : i32
    %mul3A_0 = arith.muli %arg1, %mul3A : i32
    %add3A = arith.addi %mul3A_0, %arg0 : i32
    %mul3A_1 = arith.constant 4 : i32
    %mul3A_2 = arith.muli %add3A, %mul3A_1 : i32
    "tpu.region"() ({
      %run_scoped3A = tpu.sem_alloc : memref<!tpu.dma_semaphore, #tpu.memory_space<semaphore_mem>>
      %dma_start3A_297 = arith.constant 0 : i32
      %dma_start3A_298 = tpu.memref_slice %arg6[%mul3A_2, %dma_start3A_297] : memref<128x128xi32, #tpu.memory_space<hbm>> -> memref<4x128xi32, #tpu.memory_space<hbm>>
      %dma_start3A_299 = arith.constant 0 : i32
      %dma_start3A_300 = tpu.memref_slice %arg6[%mul3A_2, %dma_start3A_299] : memref<128x128xi32, #tpu.memory_space<hbm>> -> memref<4x128xi32, #tpu.memory_space<hbm>>
      tpu.enqueue_dma source(%dma_start3A_300 : memref<4x128xi32, #tpu.memory_space<hbm>>) target(%arg9 : memref<4x128xi32, #tpu.memory_space<vmem>>) target_semaphore(%run_scoped3A : memref<!tpu.dma_semaphore, #tpu.memory_space<semaphore_mem>>)
      %dma_wait3A_301 = arith.constant 0 : i32
      %dma_wait3A_302 = tpu.memref_slice %arg6[%mul3A_2, %dma_wait3A_301] : memref<128x128xi32, #tpu.memory_space<hbm>> -> memref<4x128xi32, #tpu.memory_space<hbm>>
      %dma_wait3A_303 = arith.constant 0 : i32
      %dma_wait3A_304 = tpu.memref_slice %arg6[%mul3A_2, %dma_wait3A_303] : memref<128x128xi32, #tpu.memory_space<hbm>> -> memref<4x128xi32, #tpu.memory_space<hbm>>
      tpu.wait_dma2 semaphore(%run_scoped3A : memref<!tpu.dma_semaphore, #tpu.memory_space<semaphore_mem>>) src(%dma_wait3A_304 : memref<4x128xi32, #tpu.memory_space<hbm>>) dst(%arg9 : memref<4x128xi32, #tpu.memory_space<vmem>>)
      tpu.yield
    }) : () -> ()
    "tpu.region"() ({
      %run_scoped3A = tpu.sem_alloc : memref<!tpu.dma_semaphore, #tpu.memory_space<semaphore_mem>>
      %dma_start3A_297 = arith.constant 0 : i32
      %dma_start3A_298 = tpu.memref_slice %arg7[%mul3A_2, %dma_start3A_297] : memref<128x128xi32, #tpu.memory_space<hbm>> -> memref<4x128xi32, #tpu.memory_space<hbm>>
      %dma_start3A_299 = arith.constant 0 : i32
      %dma_start3A_300 = tpu.memref_slice %arg7[%mul3A_2, %dma_start3A_299] : memref<128x128xi32, #tpu.memory_space<hbm>> -> memref<4x128xi32, #tpu.memory_space<hbm>>
      tpu.enqueue_dma source(%dma_start3A_300 : memref<4x128xi32, #tpu.memory_space<hbm>>) target(%arg10 : memref<4x128xi32, #tpu.memory_space<vmem>>) target_semaphore(%run_scoped3A : memref<!tpu.dma_semaphore, #tpu.memory_space<semaphore_mem>>)
      %dma_wait3A_301 = arith.constant 0 : i32
      %dma_wait3A_302 = tpu.memref_slice %arg7[%mul3A_2, %dma_wait3A_301] : memref<128x128xi32, #tpu.memory_space<hbm>> -> memref<4x128xi32, #tpu.memory_space<hbm>>
      %dma_wait3A_303 = arith.constant 0 : i32
      %dma_wait3A_304 = tpu.memref_slice %arg7[%mul3A_2, %dma_wait3A_303] : memref<128x128xi32, #tpu.memory_space<hbm>> -> memref<4x128xi32, #tpu.memory_space<hbm>>
      tpu.wait_dma2 semaphore(%run_scoped3A : memref<!tpu.dma_semaphore, #tpu.memory_space<semaphore_mem>>) src(%dma_wait3A_304 : memref<4x128xi32, #tpu.memory_space<hbm>>) dst(%arg10 : memref<4x128xi32, #tpu.memory_space<vmem>>)
      tpu.yield
    }) : () -> ()
    %dma_start3A = arith.constant 0 : i32
    %dma_start3A_3 = arith.constant 0 : i32
    %dma_start3A_4 = arith.constant 0 : i32
    %dma_start3A_5 = tpu.memref_slice %arg11[%dma_start3A_3, %dma_start3A_4] : memref<512x32xf32, #tpu.memory_space<vmem>> -> memref<128x32xf32, #tpu.memory_space<vmem>>
    %dma_start3A_6 = arith.constant 0 : i32
    %dma_start3A_7 = tpu.memref_slice %arg9[%dma_start3A, %dma_start3A_6] : memref<4x128xi32, #tpu.memory_space<vmem>> -> memref<1x128xi32, #tpu.memory_space<vmem>>
    %dma_start3A_8 = tpu.memref_squeeze %dma_start3A_7 : memref<1x128xi32, #tpu.memory_space<vmem>> -> memref<128xi32, #tpu.memory_space<vmem>>
    %dma_start3A_9 = arith.constant 0 : i32
    %dma_start3A_10 = arith.constant 0 : i32
    %dma_start3A_11 = tpu.memref_slice %arg2[%dma_start3A_9, %dma_start3A_10] : memref<1000000x32xf32, #tpu.memory_space<hbm>> -> memref<1000000x32xf32, #tpu.memory_space<hbm>>
    tpu.enqueue_indirect_dma source(%dma_start3A_11 : memref<1000000x32xf32, #tpu.memory_space<hbm>>) target(%dma_start3A_5 : memref<128x32xf32, #tpu.memory_space<vmem>>) offsets(%dma_start3A_8 : memref<128xi32, #tpu.memory_space<vmem>>) semaphore(%arg16 : memref<!tpu.dma_semaphore, #tpu.memory_space<semaphore_mem>>)
    %dma_start3A_12 = arith.constant 0 : i32
    %dma_start3A_13 = arith.constant 0 : i32
    %dma_start3A_14 = arith.constant 0 : i32
    %dma_start3A_15 = tpu.memref_slice %arg12[%dma_start3A_13, %dma_start3A_14] : memref<512x32xf32, #tpu.memory_space<vmem>> -> memref<128x32xf32, #tpu.memory_space<vmem>>
    %dma_start3A_16 = arith.constant 0 : i32
    %dma_start3A_17 = tpu.memref_slice %arg10[%dma_start3A_12, %dma_start3A_16] : memref<4x128xi32, #tpu.memory_space<vmem>> -> memref<1x128xi32, #tpu.memory_space<vmem>>
    %dma_start3A_18 = tpu.memref_squeeze %dma_start3A_17 : memref<1x128xi32, #tpu.memory_space<vmem>> -> memref<128xi32, #tpu.memory_space<vmem>>
    %dma_start3A_19 = arith.constant 0 : i32
    %dma_start3A_20 = arith.constant 0 : i32
    %dma_start3A_21 = tpu.memref_slice %arg3[%dma_start3A_19, %dma_start3A_20] : memref<1000000x32xf32, #tpu.memory_space<hbm>> -> memref<1000000x32xf32, #tpu.memory_space<hbm>>
    tpu.enqueue_indirect_dma source(%dma_start3A_21 : memref<1000000x32xf32, #tpu.memory_space<hbm>>) target(%dma_start3A_15 : memref<128x32xf32, #tpu.memory_space<vmem>>) offsets(%dma_start3A_18 : memref<128xi32, #tpu.memory_space<vmem>>) semaphore(%arg16 : memref<!tpu.dma_semaphore, #tpu.memory_space<semaphore_mem>>)
    %dma_start3A_22 = arith.constant 0 : i32
    %dma_start3A_23 = arith.constant 0 : i32
    %dma_start3A_24 = tpu.memref_slice %arg13[%dma_start3A_23] : memref<512xf32, #tpu.memory_space<vmem>> -> memref<128xf32, #tpu.memory_space<vmem>>
    %dma_start3A_25 = arith.constant 0 : i32
    %dma_start3A_26 = tpu.memref_slice %arg9[%dma_start3A_22, %dma_start3A_25] : memref<4x128xi32, #tpu.memory_space<vmem>> -> memref<1x128xi32, #tpu.memory_space<vmem>>
    %dma_start3A_27 = tpu.memref_squeeze %dma_start3A_26 : memref<1x128xi32, #tpu.memory_space<vmem>> -> memref<128xi32, #tpu.memory_space<vmem>>
    %dma_start3A_28 = arith.constant 0 : i32
    %dma_start3A_29 = tpu.memref_slice %arg4[%dma_start3A_28] : memref<1000000xf32, #tpu.memory_space<hbm>> -> memref<1000000xf32, #tpu.memory_space<hbm>>
    tpu.enqueue_indirect_dma source(%dma_start3A_29 : memref<1000000xf32, #tpu.memory_space<hbm>>) target(%dma_start3A_24 : memref<128xf32, #tpu.memory_space<vmem>>) offsets(%dma_start3A_27 : memref<128xi32, #tpu.memory_space<vmem>>) semaphore(%arg16 : memref<!tpu.dma_semaphore, #tpu.memory_space<semaphore_mem>>)
    %dma_start3A_30 = arith.constant 0 : i32
    %dma_start3A_31 = arith.constant 0 : i32
    %dma_start3A_32 = tpu.memref_slice %arg14[%dma_start3A_31] : memref<512xf32, #tpu.memory_space<vmem>> -> memref<128xf32, #tpu.memory_space<vmem>>
    %dma_start3A_33 = arith.constant 0 : i32
    %dma_start3A_34 = tpu.memref_slice %arg10[%dma_start3A_30, %dma_start3A_33] : memref<4x128xi32, #tpu.memory_space<vmem>> -> memref<1x128xi32, #tpu.memory_space<vmem>>
    %dma_start3A_35 = tpu.memref_squeeze %dma_start3A_34 : memref<1x128xi32, #tpu.memory_space<vmem>> -> memref<128xi32, #tpu.memory_space<vmem>>
    %dma_start3A_36 = arith.constant 0 : i32
    %dma_start3A_37 = tpu.memref_slice %arg5[%dma_start3A_36] : memref<1000000xf32, #tpu.memory_space<hbm>> -> memref<1000000xf32, #tpu.memory_space<hbm>>
    tpu.enqueue_indirect_dma source(%dma_start3A_37 : memref<1000000xf32, #tpu.memory_space<hbm>>) target(%dma_start3A_32 : memref<128xf32, #tpu.memory_space<vmem>>) offsets(%dma_start3A_35 : memref<128xi32, #tpu.memory_space<vmem>>) semaphore(%arg16 : memref<!tpu.dma_semaphore, #tpu.memory_space<semaphore_mem>>)
    %dma_start3A_38 = arith.constant 1 : i32
    %dma_start3A_39 = arith.constant 128 : i32
    %dma_start3A_40 = arith.constant 0 : i32
    %dma_start3A_41 = tpu.memref_slice %arg11[%dma_start3A_39, %dma_start3A_40] : memref<512x32xf32, #tpu.memory_space<vmem>> -> memref<128x32xf32, #tpu.memory_space<vmem>>
    %dma_start3A_42 = arith.constant 0 : i32
    %dma_start3A_43 = tpu.memref_slice %arg9[%dma_start3A_38, %dma_start3A_42] : memref<4x128xi32, #tpu.memory_space<vmem>> -> memref<1x128xi32, #tpu.memory_space<vmem>>
    %dma_start3A_44 = tpu.memref_squeeze %dma_start3A_43 : memref<1x128xi32, #tpu.memory_space<vmem>> -> memref<128xi32, #tpu.memory_space<vmem>>
    %dma_start3A_45 = arith.constant 0 : i32
    %dma_start3A_46 = arith.constant 0 : i32
    %dma_start3A_47 = tpu.memref_slice %arg2[%dma_start3A_45, %dma_start3A_46] : memref<1000000x32xf32, #tpu.memory_space<hbm>> -> memref<1000000x32xf32, #tpu.memory_space<hbm>>
    tpu.enqueue_indirect_dma source(%dma_start3A_47 : memref<1000000x32xf32, #tpu.memory_space<hbm>>) target(%dma_start3A_41 : memref<128x32xf32, #tpu.memory_space<vmem>>) offsets(%dma_start3A_44 : memref<128xi32, #tpu.memory_space<vmem>>) semaphore(%arg16 : memref<!tpu.dma_semaphore, #tpu.memory_space<semaphore_mem>>)
    %dma_start3A_48 = arith.constant 1 : i32
    %dma_start3A_49 = arith.constant 128 : i32
    %dma_start3A_50 = arith.constant 0 : i32
    %dma_start3A_51 = tpu.memref_slice %arg12[%dma_start3A_49, %dma_start3A_50] : memref<512x32xf32, #tpu.memory_space<vmem>> -> memref<128x32xf32, #tpu.memory_space<vmem>>
    %dma_start3A_52 = arith.constant 0 : i32
    %dma_start3A_53 = tpu.memref_slice %arg10[%dma_start3A_48, %dma_start3A_52] : memref<4x128xi32, #tpu.memory_space<vmem>> -> memref<1x128xi32, #tpu.memory_space<vmem>>
    %dma_start3A_54 = tpu.memref_squeeze %dma_start3A_53 : memref<1x128xi32, #tpu.memory_space<vmem>> -> memref<128xi32, #tpu.memory_space<vmem>>
    %dma_start3A_55 = arith.constant 0 : i32
    %dma_start3A_56 = arith.constant 0 : i32
    %dma_start3A_57 = tpu.memref_slice %arg3[%dma_start3A_55, %dma_start3A_56] : memref<1000000x32xf32, #tpu.memory_space<hbm>> -> memref<1000000x32xf32, #tpu.memory_space<hbm>>
    tpu.enqueue_indirect_dma source(%dma_start3A_57 : memref<1000000x32xf32, #tpu.memory_space<hbm>>) target(%dma_start3A_51 : memref<128x32xf32, #tpu.memory_space<vmem>>) offsets(%dma_start3A_54 : memref<128xi32, #tpu.memory_space<vmem>>) semaphore(%arg16 : memref<!tpu.dma_semaphore, #tpu.memory_space<semaphore_mem>>)
    %dma_start3A_58 = arith.constant 1 : i32
    %dma_start3A_59 = arith.constant 128 : i32
    %dma_start3A_60 = tpu.memref_slice %arg13[%dma_start3A_59] : memref<512xf32, #tpu.memory_space<vmem>> -> memref<128xf32, #tpu.memory_space<vmem>>
    %dma_start3A_61 = arith.constant 0 : i32
    %dma_start3A_62 = tpu.memref_slice %arg9[%dma_start3A_58, %dma_start3A_61] : memref<4x128xi32, #tpu.memory_space<vmem>> -> memref<1x128xi32, #tpu.memory_space<vmem>>
    %dma_start3A_63 = tpu.memref_squeeze %dma_start3A_62 : memref<1x128xi32, #tpu.memory_space<vmem>> -> memref<128xi32, #tpu.memory_space<vmem>>
    %dma_start3A_64 = arith.constant 0 : i32
    %dma_start3A_65 = tpu.memref_slice %arg4[%dma_start3A_64] : memref<1000000xf32, #tpu.memory_space<hbm>> -> memref<1000000xf32, #tpu.memory_space<hbm>>
    tpu.enqueue_indirect_dma source(%dma_start3A_65 : memref<1000000xf32, #tpu.memory_space<hbm>>) target(%dma_start3A_60 : memref<128xf32, #tpu.memory_space<vmem>>) offsets(%dma_start3A_63 : memref<128xi32, #tpu.memory_space<vmem>>) semaphore(%arg16 : memref<!tpu.dma_semaphore, #tpu.memory_space<semaphore_mem>>)
    %dma_start3A_66 = arith.constant 1 : i32
    %dma_start3A_67 = arith.constant 128 : i32
    %dma_start3A_68 = tpu.memref_slice %arg14[%dma_start3A_67] : memref<512xf32, #tpu.memory_space<vmem>> -> memref<128xf32, #tpu.memory_space<vmem>>
    %dma_start3A_69 = arith.constant 0 : i32
    %dma_start3A_70 = tpu.memref_slice %arg10[%dma_start3A_66, %dma_start3A_69] : memref<4x128xi32, #tpu.memory_space<vmem>> -> memref<1x128xi32, #tpu.memory_space<vmem>>
    %dma_start3A_71 = tpu.memref_squeeze %dma_start3A_70 : memref<1x128xi32, #tpu.memory_space<vmem>> -> memref<128xi32, #tpu.memory_space<vmem>>
    %dma_start3A_72 = arith.constant 0 : i32
    %dma_start3A_73 = tpu.memref_slice %arg5[%dma_start3A_72] : memref<1000000xf32, #tpu.memory_space<hbm>> -> memref<1000000xf32, #tpu.memory_space<hbm>>
    tpu.enqueue_indirect_dma source(%dma_start3A_73 : memref<1000000xf32, #tpu.memory_space<hbm>>) target(%dma_start3A_68 : memref<128xf32, #tpu.memory_space<vmem>>) offsets(%dma_start3A_71 : memref<128xi32, #tpu.memory_space<vmem>>) semaphore(%arg16 : memref<!tpu.dma_semaphore, #tpu.memory_space<semaphore_mem>>)
    %dma_start3A_74 = arith.constant 2 : i32
    %dma_start3A_75 = arith.constant 256 : i32
    %dma_start3A_76 = arith.constant 0 : i32
    %dma_start3A_77 = tpu.memref_slice %arg11[%dma_start3A_75, %dma_start3A_76] : memref<512x32xf32, #tpu.memory_space<vmem>> -> memref<128x32xf32, #tpu.memory_space<vmem>>
    %dma_start3A_78 = arith.constant 0 : i32
    %dma_start3A_79 = tpu.memref_slice %arg9[%dma_start3A_74, %dma_start3A_78] : memref<4x128xi32, #tpu.memory_space<vmem>> -> memref<1x128xi32, #tpu.memory_space<vmem>>
    %dma_start3A_80 = tpu.memref_squeeze %dma_start3A_79 : memref<1x128xi32, #tpu.memory_space<vmem>> -> memref<128xi32, #tpu.memory_space<vmem>>
    %dma_start3A_81 = arith.constant 0 : i32
    %dma_start3A_82 = arith.constant 0 : i32
    %dma_start3A_83 = tpu.memref_slice %arg2[%dma_start3A_81, %dma_start3A_82] : memref<1000000x32xf32, #tpu.memory_space<hbm>> -> memref<1000000x32xf32, #tpu.memory_space<hbm>>
    tpu.enqueue_indirect_dma source(%dma_start3A_83 : memref<1000000x32xf32, #tpu.memory_space<hbm>>) target(%dma_start3A_77 : memref<128x32xf32, #tpu.memory_space<vmem>>) offsets(%dma_start3A_80 : memref<128xi32, #tpu.memory_space<vmem>>) semaphore(%arg16 : memref<!tpu.dma_semaphore, #tpu.memory_space<semaphore_mem>>)
    %dma_start3A_84 = arith.constant 2 : i32
    %dma_start3A_85 = arith.constant 256 : i32
    %dma_start3A_86 = arith.constant 0 : i32
    %dma_start3A_87 = tpu.memref_slice %arg12[%dma_start3A_85, %dma_start3A_86] : memref<512x32xf32, #tpu.memory_space<vmem>> -> memref<128x32xf32, #tpu.memory_space<vmem>>
    %dma_start3A_88 = arith.constant 0 : i32
    %dma_start3A_89 = tpu.memref_slice %arg10[%dma_start3A_84, %dma_start3A_88] : memref<4x128xi32, #tpu.memory_space<vmem>> -> memref<1x128xi32, #tpu.memory_space<vmem>>
    %dma_start3A_90 = tpu.memref_squeeze %dma_start3A_89 : memref<1x128xi32, #tpu.memory_space<vmem>> -> memref<128xi32, #tpu.memory_space<vmem>>
    %dma_start3A_91 = arith.constant 0 : i32
    %dma_start3A_92 = arith.constant 0 : i32
    %dma_start3A_93 = tpu.memref_slice %arg3[%dma_start3A_91, %dma_start3A_92] : memref<1000000x32xf32, #tpu.memory_space<hbm>> -> memref<1000000x32xf32, #tpu.memory_space<hbm>>
    tpu.enqueue_indirect_dma source(%dma_start3A_93 : memref<1000000x32xf32, #tpu.memory_space<hbm>>) target(%dma_start3A_87 : memref<128x32xf32, #tpu.memory_space<vmem>>) offsets(%dma_start3A_90 : memref<128xi32, #tpu.memory_space<vmem>>) semaphore(%arg16 : memref<!tpu.dma_semaphore, #tpu.memory_space<semaphore_mem>>)
    %dma_start3A_94 = arith.constant 2 : i32
    %dma_start3A_95 = arith.constant 256 : i32
    %dma_start3A_96 = tpu.memref_slice %arg13[%dma_start3A_95] : memref<512xf32, #tpu.memory_space<vmem>> -> memref<128xf32, #tpu.memory_space<vmem>>
    %dma_start3A_97 = arith.constant 0 : i32
    %dma_start3A_98 = tpu.memref_slice %arg9[%dma_start3A_94, %dma_start3A_97] : memref<4x128xi32, #tpu.memory_space<vmem>> -> memref<1x128xi32, #tpu.memory_space<vmem>>
    %dma_start3A_99 = tpu.memref_squeeze %dma_start3A_98 : memref<1x128xi32, #tpu.memory_space<vmem>> -> memref<128xi32, #tpu.memory_space<vmem>>
    %dma_start3A_100 = arith.constant 0 : i32
    %dma_start3A_101 = tpu.memref_slice %arg4[%dma_start3A_100] : memref<1000000xf32, #tpu.memory_space<hbm>> -> memref<1000000xf32, #tpu.memory_space<hbm>>
    tpu.enqueue_indirect_dma source(%dma_start3A_101 : memref<1000000xf32, #tpu.memory_space<hbm>>) target(%dma_start3A_96 : memref<128xf32, #tpu.memory_space<vmem>>) offsets(%dma_start3A_99 : memref<128xi32, #tpu.memory_space<vmem>>) semaphore(%arg16 : memref<!tpu.dma_semaphore, #tpu.memory_space<semaphore_mem>>)
    %dma_start3A_102 = arith.constant 2 : i32
    %dma_start3A_103 = arith.constant 256 : i32
    %dma_start3A_104 = tpu.memref_slice %arg14[%dma_start3A_103] : memref<512xf32, #tpu.memory_space<vmem>> -> memref<128xf32, #tpu.memory_space<vmem>>
    %dma_start3A_105 = arith.constant 0 : i32
    %dma_start3A_106 = tpu.memref_slice %arg10[%dma_start3A_102, %dma_start3A_105] : memref<4x128xi32, #tpu.memory_space<vmem>> -> memref<1x128xi32, #tpu.memory_space<vmem>>
    %dma_start3A_107 = tpu.memref_squeeze %dma_start3A_106 : memref<1x128xi32, #tpu.memory_space<vmem>> -> memref<128xi32, #tpu.memory_space<vmem>>
    %dma_start3A_108 = arith.constant 0 : i32
    %dma_start3A_109 = tpu.memref_slice %arg5[%dma_start3A_108] : memref<1000000xf32, #tpu.memory_space<hbm>> -> memref<1000000xf32, #tpu.memory_space<hbm>>
    tpu.enqueue_indirect_dma source(%dma_start3A_109 : memref<1000000xf32, #tpu.memory_space<hbm>>) target(%dma_start3A_104 : memref<128xf32, #tpu.memory_space<vmem>>) offsets(%dma_start3A_107 : memref<128xi32, #tpu.memory_space<vmem>>) semaphore(%arg16 : memref<!tpu.dma_semaphore, #tpu.memory_space<semaphore_mem>>)
    %dma_start3A_110 = arith.constant 3 : i32
    %dma_start3A_111 = arith.constant 384 : i32
    %dma_start3A_112 = arith.constant 0 : i32
    %dma_start3A_113 = tpu.memref_slice %arg11[%dma_start3A_111, %dma_start3A_112] : memref<512x32xf32, #tpu.memory_space<vmem>> -> memref<128x32xf32, #tpu.memory_space<vmem>>
    %dma_start3A_114 = arith.constant 0 : i32
    %dma_start3A_115 = tpu.memref_slice %arg9[%dma_start3A_110, %dma_start3A_114] : memref<4x128xi32, #tpu.memory_space<vmem>> -> memref<1x128xi32, #tpu.memory_space<vmem>>
    %dma_start3A_116 = tpu.memref_squeeze %dma_start3A_115 : memref<1x128xi32, #tpu.memory_space<vmem>> -> memref<128xi32, #tpu.memory_space<vmem>>
    %dma_start3A_117 = arith.constant 0 : i32
    %dma_start3A_118 = arith.constant 0 : i32
    %dma_start3A_119 = tpu.memref_slice %arg2[%dma_start3A_117, %dma_start3A_118] : memref<1000000x32xf32, #tpu.memory_space<hbm>> -> memref<1000000x32xf32, #tpu.memory_space<hbm>>
    tpu.enqueue_indirect_dma source(%dma_start3A_119 : memref<1000000x32xf32, #tpu.memory_space<hbm>>) target(%dma_start3A_113 : memref<128x32xf32, #tpu.memory_space<vmem>>) offsets(%dma_start3A_116 : memref<128xi32, #tpu.memory_space<vmem>>) semaphore(%arg16 : memref<!tpu.dma_semaphore, #tpu.memory_space<semaphore_mem>>)
    %dma_start3A_120 = arith.constant 3 : i32
    %dma_start3A_121 = arith.constant 384 : i32
    %dma_start3A_122 = arith.constant 0 : i32
    %dma_start3A_123 = tpu.memref_slice %arg12[%dma_start3A_121, %dma_start3A_122] : memref<512x32xf32, #tpu.memory_space<vmem>> -> memref<128x32xf32, #tpu.memory_space<vmem>>
    %dma_start3A_124 = arith.constant 0 : i32
    %dma_start3A_125 = tpu.memref_slice %arg10[%dma_start3A_120, %dma_start3A_124] : memref<4x128xi32, #tpu.memory_space<vmem>> -> memref<1x128xi32, #tpu.memory_space<vmem>>
    %dma_start3A_126 = tpu.memref_squeeze %dma_start3A_125 : memref<1x128xi32, #tpu.memory_space<vmem>> -> memref<128xi32, #tpu.memory_space<vmem>>
    %dma_start3A_127 = arith.constant 0 : i32
    %dma_start3A_128 = arith.constant 0 : i32
    %dma_start3A_129 = tpu.memref_slice %arg3[%dma_start3A_127, %dma_start3A_128] : memref<1000000x32xf32, #tpu.memory_space<hbm>> -> memref<1000000x32xf32, #tpu.memory_space<hbm>>
    tpu.enqueue_indirect_dma source(%dma_start3A_129 : memref<1000000x32xf32, #tpu.memory_space<hbm>>) target(%dma_start3A_123 : memref<128x32xf32, #tpu.memory_space<vmem>>) offsets(%dma_start3A_126 : memref<128xi32, #tpu.memory_space<vmem>>) semaphore(%arg16 : memref<!tpu.dma_semaphore, #tpu.memory_space<semaphore_mem>>)
    %dma_start3A_130 = arith.constant 3 : i32
    %dma_start3A_131 = arith.constant 384 : i32
    %dma_start3A_132 = tpu.memref_slice %arg13[%dma_start3A_131] : memref<512xf32, #tpu.memory_space<vmem>> -> memref<128xf32, #tpu.memory_space<vmem>>
    %dma_start3A_133 = arith.constant 0 : i32
    %dma_start3A_134 = tpu.memref_slice %arg9[%dma_start3A_130, %dma_start3A_133] : memref<4x128xi32, #tpu.memory_space<vmem>> -> memref<1x128xi32, #tpu.memory_space<vmem>>
    %dma_start3A_135 = tpu.memref_squeeze %dma_start3A_134 : memref<1x128xi32, #tpu.memory_space<vmem>> -> memref<128xi32, #tpu.memory_space<vmem>>
    %dma_start3A_136 = arith.constant 0 : i32
    %dma_start3A_137 = tpu.memref_slice %arg4[%dma_start3A_136] : memref<1000000xf32, #tpu.memory_space<hbm>> -> memref<1000000xf32, #tpu.memory_space<hbm>>
    tpu.enqueue_indirect_dma source(%dma_start3A_137 : memref<1000000xf32, #tpu.memory_space<hbm>>) target(%dma_start3A_132 : memref<128xf32, #tpu.memory_space<vmem>>) offsets(%dma_start3A_135 : memref<128xi32, #tpu.memory_space<vmem>>) semaphore(%arg16 : memref<!tpu.dma_semaphore, #tpu.memory_space<semaphore_mem>>)
    %dma_start3A_138 = arith.constant 3 : i32
    %dma_start3A_139 = arith.constant 384 : i32
    %dma_start3A_140 = tpu.memref_slice %arg14[%dma_start3A_139] : memref<512xf32, #tpu.memory_space<vmem>> -> memref<128xf32, #tpu.memory_space<vmem>>
    %dma_start3A_141 = arith.constant 0 : i32
    %dma_start3A_142 = tpu.memref_slice %arg10[%dma_start3A_138, %dma_start3A_141] : memref<4x128xi32, #tpu.memory_space<vmem>> -> memref<1x128xi32, #tpu.memory_space<vmem>>
    %dma_start3A_143 = tpu.memref_squeeze %dma_start3A_142 : memref<1x128xi32, #tpu.memory_space<vmem>> -> memref<128xi32, #tpu.memory_space<vmem>>
    %dma_start3A_144 = arith.constant 0 : i32
    %dma_start3A_145 = tpu.memref_slice %arg5[%dma_start3A_144] : memref<1000000xf32, #tpu.memory_space<hbm>> -> memref<1000000xf32, #tpu.memory_space<hbm>>
    tpu.enqueue_indirect_dma source(%dma_start3A_145 : memref<1000000xf32, #tpu.memory_space<hbm>>) target(%dma_start3A_140 : memref<128xf32, #tpu.memory_space<vmem>>) offsets(%dma_start3A_143 : memref<128xi32, #tpu.memory_space<vmem>>) semaphore(%arg16 : memref<!tpu.dma_semaphore, #tpu.memory_space<semaphore_mem>>)
    %dma_wait3A = arith.constant 0 : i32
    %dma_wait3A_146 = arith.constant 0 : i32
    %dma_wait3A_147 = arith.constant 0 : i32
    %dma_wait3A_148 = tpu.memref_slice %arg11[%dma_wait3A_146, %dma_wait3A_147] : memref<512x32xf32, #tpu.memory_space<vmem>> -> memref<128x32xf32, #tpu.memory_space<vmem>>
    %dma_wait3A_149 = arith.constant 0 : i32
    %dma_wait3A_150 = tpu.memref_slice %arg9[%dma_wait3A, %dma_wait3A_149] : memref<4x128xi32, #tpu.memory_space<vmem>> -> memref<1x128xi32, #tpu.memory_space<vmem>>
    %dma_wait3A_151 = tpu.memref_squeeze %dma_wait3A_150 : memref<1x128xi32, #tpu.memory_space<vmem>> -> memref<128xi32, #tpu.memory_space<vmem>>
    %dma_wait3A_152 = arith.constant 0 : i32
    %dma_wait3A_153 = arith.constant 0 : i32
    %dma_wait3A_154 = tpu.memref_slice %arg2[%dma_wait3A_152, %dma_wait3A_153] : memref<1000000x32xf32, #tpu.memory_space<hbm>> -> memref<1000000x32xf32, #tpu.memory_space<hbm>>
    tpu.wait_indirect_dma semaphore(%arg16 : memref<!tpu.dma_semaphore, #tpu.memory_space<semaphore_mem>>) src(%dma_wait3A_154 : memref<1000000x32xf32, #tpu.memory_space<hbm>>) dst(%dma_wait3A_148 : memref<128x32xf32, #tpu.memory_space<vmem>>)
    %dma_wait3A_155 = arith.constant 0 : i32
    %dma_wait3A_156 = arith.constant 0 : i32
    %dma_wait3A_157 = arith.constant 0 : i32
    %dma_wait3A_158 = tpu.memref_slice %arg12[%dma_wait3A_156, %dma_wait3A_157] : memref<512x32xf32, #tpu.memory_space<vmem>> -> memref<128x32xf32, #tpu.memory_space<vmem>>
    %dma_wait3A_159 = arith.constant 0 : i32
    %dma_wait3A_160 = tpu.memref_slice %arg10[%dma_wait3A_155, %dma_wait3A_159] : memref<4x128xi32, #tpu.memory_space<vmem>> -> memref<1x128xi32, #tpu.memory_space<vmem>>
    %dma_wait3A_161 = tpu.memref_squeeze %dma_wait3A_160 : memref<1x128xi32, #tpu.memory_space<vmem>> -> memref<128xi32, #tpu.memory_space<vmem>>
    %dma_wait3A_162 = arith.constant 0 : i32
    %dma_wait3A_163 = arith.constant 0 : i32
    %dma_wait3A_164 = tpu.memref_slice %arg3[%dma_wait3A_162, %dma_wait3A_163] : memref<1000000x32xf32, #tpu.memory_space<hbm>> -> memref<1000000x32xf32, #tpu.memory_space<hbm>>
    tpu.wait_indirect_dma semaphore(%arg16 : memref<!tpu.dma_semaphore, #tpu.memory_space<semaphore_mem>>) src(%dma_wait3A_164 : memref<1000000x32xf32, #tpu.memory_space<hbm>>) dst(%dma_wait3A_158 : memref<128x32xf32, #tpu.memory_space<vmem>>)
    %dma_wait3A_165 = arith.constant 0 : i32
    %dma_wait3A_166 = arith.constant 0 : i32
    %dma_wait3A_167 = tpu.memref_slice %arg13[%dma_wait3A_166] : memref<512xf32, #tpu.memory_space<vmem>> -> memref<128xf32, #tpu.memory_space<vmem>>
    %dma_wait3A_168 = arith.constant 0 : i32
    %dma_wait3A_169 = tpu.memref_slice %arg9[%dma_wait3A_165, %dma_wait3A_168] : memref<4x128xi32, #tpu.memory_space<vmem>> -> memref<1x128xi32, #tpu.memory_space<vmem>>
    %dma_wait3A_170 = tpu.memref_squeeze %dma_wait3A_169 : memref<1x128xi32, #tpu.memory_space<vmem>> -> memref<128xi32, #tpu.memory_space<vmem>>
    %dma_wait3A_171 = arith.constant 0 : i32
    %dma_wait3A_172 = tpu.memref_slice %arg4[%dma_wait3A_171] : memref<1000000xf32, #tpu.memory_space<hbm>> -> memref<1000000xf32, #tpu.memory_space<hbm>>
    tpu.wait_indirect_dma semaphore(%arg16 : memref<!tpu.dma_semaphore, #tpu.memory_space<semaphore_mem>>) src(%dma_wait3A_172 : memref<1000000xf32, #tpu.memory_space<hbm>>) dst(%dma_wait3A_167 : memref<128xf32, #tpu.memory_space<vmem>>)
    %dma_wait3A_173 = arith.constant 0 : i32
    %dma_wait3A_174 = arith.constant 0 : i32
    %dma_wait3A_175 = tpu.memref_slice %arg14[%dma_wait3A_174] : memref<512xf32, #tpu.memory_space<vmem>> -> memref<128xf32, #tpu.memory_space<vmem>>
    %dma_wait3A_176 = arith.constant 0 : i32
    %dma_wait3A_177 = tpu.memref_slice %arg10[%dma_wait3A_173, %dma_wait3A_176] : memref<4x128xi32, #tpu.memory_space<vmem>> -> memref<1x128xi32, #tpu.memory_space<vmem>>
    %dma_wait3A_178 = tpu.memref_squeeze %dma_wait3A_177 : memref<1x128xi32, #tpu.memory_space<vmem>> -> memref<128xi32, #tpu.memory_space<vmem>>
    %dma_wait3A_179 = arith.constant 0 : i32
    %dma_wait3A_180 = tpu.memref_slice %arg5[%dma_wait3A_179] : memref<1000000xf32, #tpu.memory_space<hbm>> -> memref<1000000xf32, #tpu.memory_space<hbm>>
    tpu.wait_indirect_dma semaphore(%arg16 : memref<!tpu.dma_semaphore, #tpu.memory_space<semaphore_mem>>) src(%dma_wait3A_180 : memref<1000000xf32, #tpu.memory_space<hbm>>) dst(%dma_wait3A_175 : memref<128xf32, #tpu.memory_space<vmem>>)
    %dma_wait3A_181 = arith.constant 1 : i32
    %dma_wait3A_182 = arith.constant 128 : i32
    %dma_wait3A_183 = arith.constant 0 : i32
    %dma_wait3A_184 = tpu.memref_slice %arg11[%dma_wait3A_182, %dma_wait3A_183] : memref<512x32xf32, #tpu.memory_space<vmem>> -> memref<128x32xf32, #tpu.memory_space<vmem>>
    %dma_wait3A_185 = arith.constant 0 : i32
    %dma_wait3A_186 = tpu.memref_slice %arg9[%dma_wait3A_181, %dma_wait3A_185] : memref<4x128xi32, #tpu.memory_space<vmem>> -> memref<1x128xi32, #tpu.memory_space<vmem>>
    %dma_wait3A_187 = tpu.memref_squeeze %dma_wait3A_186 : memref<1x128xi32, #tpu.memory_space<vmem>> -> memref<128xi32, #tpu.memory_space<vmem>>
    %dma_wait3A_188 = arith.constant 0 : i32
    %dma_wait3A_189 = arith.constant 0 : i32
    %dma_wait3A_190 = tpu.memref_slice %arg2[%dma_wait3A_188, %dma_wait3A_189] : memref<1000000x32xf32, #tpu.memory_space<hbm>> -> memref<1000000x32xf32, #tpu.memory_space<hbm>>
    tpu.wait_indirect_dma semaphore(%arg16 : memref<!tpu.dma_semaphore, #tpu.memory_space<semaphore_mem>>) src(%dma_wait3A_190 : memref<1000000x32xf32, #tpu.memory_space<hbm>>) dst(%dma_wait3A_184 : memref<128x32xf32, #tpu.memory_space<vmem>>)
    %dma_wait3A_191 = arith.constant 1 : i32
    %dma_wait3A_192 = arith.constant 128 : i32
    %dma_wait3A_193 = arith.constant 0 : i32
    %dma_wait3A_194 = tpu.memref_slice %arg12[%dma_wait3A_192, %dma_wait3A_193] : memref<512x32xf32, #tpu.memory_space<vmem>> -> memref<128x32xf32, #tpu.memory_space<vmem>>
    %dma_wait3A_195 = arith.constant 0 : i32
    %dma_wait3A_196 = tpu.memref_slice %arg10[%dma_wait3A_191, %dma_wait3A_195] : memref<4x128xi32, #tpu.memory_space<vmem>> -> memref<1x128xi32, #tpu.memory_space<vmem>>
    %dma_wait3A_197 = tpu.memref_squeeze %dma_wait3A_196 : memref<1x128xi32, #tpu.memory_space<vmem>> -> memref<128xi32, #tpu.memory_space<vmem>>
    %dma_wait3A_198 = arith.constant 0 : i32
    %dma_wait3A_199 = arith.constant 0 : i32
    %dma_wait3A_200 = tpu.memref_slice %arg3[%dma_wait3A_198, %dma_wait3A_199] : memref<1000000x32xf32, #tpu.memory_space<hbm>> -> memref<1000000x32xf32, #tpu.memory_space<hbm>>
    tpu.wait_indirect_dma semaphore(%arg16 : memref<!tpu.dma_semaphore, #tpu.memory_space<semaphore_mem>>) src(%dma_wait3A_200 : memref<1000000x32xf32, #tpu.memory_space<hbm>>) dst(%dma_wait3A_194 : memref<128x32xf32, #tpu.memory_space<vmem>>)
    %dma_wait3A_201 = arith.constant 1 : i32
    %dma_wait3A_202 = arith.constant 128 : i32
    %dma_wait3A_203 = tpu.memref_slice %arg13[%dma_wait3A_202] : memref<512xf32, #tpu.memory_space<vmem>> -> memref<128xf32, #tpu.memory_space<vmem>>
    %dma_wait3A_204 = arith.constant 0 : i32
    %dma_wait3A_205 = tpu.memref_slice %arg9[%dma_wait3A_201, %dma_wait3A_204] : memref<4x128xi32, #tpu.memory_space<vmem>> -> memref<1x128xi32, #tpu.memory_space<vmem>>
    %dma_wait3A_206 = tpu.memref_squeeze %dma_wait3A_205 : memref<1x128xi32, #tpu.memory_space<vmem>> -> memref<128xi32, #tpu.memory_space<vmem>>
    %dma_wait3A_207 = arith.constant 0 : i32
    %dma_wait3A_208 = tpu.memref_slice %arg4[%dma_wait3A_207] : memref<1000000xf32, #tpu.memory_space<hbm>> -> memref<1000000xf32, #tpu.memory_space<hbm>>
    tpu.wait_indirect_dma semaphore(%arg16 : memref<!tpu.dma_semaphore, #tpu.memory_space<semaphore_mem>>) src(%dma_wait3A_208 : memref<1000000xf32, #tpu.memory_space<hbm>>) dst(%dma_wait3A_203 : memref<128xf32, #tpu.memory_space<vmem>>)
    %dma_wait3A_209 = arith.constant 1 : i32
    %dma_wait3A_210 = arith.constant 128 : i32
    %dma_wait3A_211 = tpu.memref_slice %arg14[%dma_wait3A_210] : memref<512xf32, #tpu.memory_space<vmem>> -> memref<128xf32, #tpu.memory_space<vmem>>
    %dma_wait3A_212 = arith.constant 0 : i32
    %dma_wait3A_213 = tpu.memref_slice %arg10[%dma_wait3A_209, %dma_wait3A_212] : memref<4x128xi32, #tpu.memory_space<vmem>> -> memref<1x128xi32, #tpu.memory_space<vmem>>
    %dma_wait3A_214 = tpu.memref_squeeze %dma_wait3A_213 : memref<1x128xi32, #tpu.memory_space<vmem>> -> memref<128xi32, #tpu.memory_space<vmem>>
    %dma_wait3A_215 = arith.constant 0 : i32
    %dma_wait3A_216 = tpu.memref_slice %arg5[%dma_wait3A_215] : memref<1000000xf32, #tpu.memory_space<hbm>> -> memref<1000000xf32, #tpu.memory_space<hbm>>
    tpu.wait_indirect_dma semaphore(%arg16 : memref<!tpu.dma_semaphore, #tpu.memory_space<semaphore_mem>>) src(%dma_wait3A_216 : memref<1000000xf32, #tpu.memory_space<hbm>>) dst(%dma_wait3A_211 : memref<128xf32, #tpu.memory_space<vmem>>)
    %dma_wait3A_217 = arith.constant 2 : i32
    %dma_wait3A_218 = arith.constant 256 : i32
    %dma_wait3A_219 = arith.constant 0 : i32
    %dma_wait3A_220 = tpu.memref_slice %arg11[%dma_wait3A_218, %dma_wait3A_219] : memref<512x32xf32, #tpu.memory_space<vmem>> -> memref<128x32xf32, #tpu.memory_space<vmem>>
    %dma_wait3A_221 = arith.constant 0 : i32
    %dma_wait3A_222 = tpu.memref_slice %arg9[%dma_wait3A_217, %dma_wait3A_221] : memref<4x128xi32, #tpu.memory_space<vmem>> -> memref<1x128xi32, #tpu.memory_space<vmem>>
    %dma_wait3A_223 = tpu.memref_squeeze %dma_wait3A_222 : memref<1x128xi32, #tpu.memory_space<vmem>> -> memref<128xi32, #tpu.memory_space<vmem>>
    %dma_wait3A_224 = arith.constant 0 : i32
    %dma_wait3A_225 = arith.constant 0 : i32
    %dma_wait3A_226 = tpu.memref_slice %arg2[%dma_wait3A_224, %dma_wait3A_225] : memref<1000000x32xf32, #tpu.memory_space<hbm>> -> memref<1000000x32xf32, #tpu.memory_space<hbm>>
    tpu.wait_indirect_dma semaphore(%arg16 : memref<!tpu.dma_semaphore, #tpu.memory_space<semaphore_mem>>) src(%dma_wait3A_226 : memref<1000000x32xf32, #tpu.memory_space<hbm>>) dst(%dma_wait3A_220 : memref<128x32xf32, #tpu.memory_space<vmem>>)
    %dma_wait3A_227 = arith.constant 2 : i32
    %dma_wait3A_228 = arith.constant 256 : i32
    %dma_wait3A_229 = arith.constant 0 : i32
    %dma_wait3A_230 = tpu.memref_slice %arg12[%dma_wait3A_228, %dma_wait3A_229] : memref<512x32xf32, #tpu.memory_space<vmem>> -> memref<128x32xf32, #tpu.memory_space<vmem>>
    %dma_wait3A_231 = arith.constant 0 : i32
    %dma_wait3A_232 = tpu.memref_slice %arg10[%dma_wait3A_227, %dma_wait3A_231] : memref<4x128xi32, #tpu.memory_space<vmem>> -> memref<1x128xi32, #tpu.memory_space<vmem>>
    %dma_wait3A_233 = tpu.memref_squeeze %dma_wait3A_232 : memref<1x128xi32, #tpu.memory_space<vmem>> -> memref<128xi32, #tpu.memory_space<vmem>>
    %dma_wait3A_234 = arith.constant 0 : i32
    %dma_wait3A_235 = arith.constant 0 : i32
    %dma_wait3A_236 = tpu.memref_slice %arg3[%dma_wait3A_234, %dma_wait3A_235] : memref<1000000x32xf32, #tpu.memory_space<hbm>> -> memref<1000000x32xf32, #tpu.memory_space<hbm>>
    tpu.wait_indirect_dma semaphore(%arg16 : memref<!tpu.dma_semaphore, #tpu.memory_space<semaphore_mem>>) src(%dma_wait3A_236 : memref<1000000x32xf32, #tpu.memory_space<hbm>>) dst(%dma_wait3A_230 : memref<128x32xf32, #tpu.memory_space<vmem>>)
    %dma_wait3A_237 = arith.constant 2 : i32
    %dma_wait3A_238 = arith.constant 256 : i32
    %dma_wait3A_239 = tpu.memref_slice %arg13[%dma_wait3A_238] : memref<512xf32, #tpu.memory_space<vmem>> -> memref<128xf32, #tpu.memory_space<vmem>>
    %dma_wait3A_240 = arith.constant 0 : i32
    %dma_wait3A_241 = tpu.memref_slice %arg9[%dma_wait3A_237, %dma_wait3A_240] : memref<4x128xi32, #tpu.memory_space<vmem>> -> memref<1x128xi32, #tpu.memory_space<vmem>>
    %dma_wait3A_242 = tpu.memref_squeeze %dma_wait3A_241 : memref<1x128xi32, #tpu.memory_space<vmem>> -> memref<128xi32, #tpu.memory_space<vmem>>
    %dma_wait3A_243 = arith.constant 0 : i32
    %dma_wait3A_244 = tpu.memref_slice %arg4[%dma_wait3A_243] : memref<1000000xf32, #tpu.memory_space<hbm>> -> memref<1000000xf32, #tpu.memory_space<hbm>>
    tpu.wait_indirect_dma semaphore(%arg16 : memref<!tpu.dma_semaphore, #tpu.memory_space<semaphore_mem>>) src(%dma_wait3A_244 : memref<1000000xf32, #tpu.memory_space<hbm>>) dst(%dma_wait3A_239 : memref<128xf32, #tpu.memory_space<vmem>>)
    %dma_wait3A_245 = arith.constant 2 : i32
    %dma_wait3A_246 = arith.constant 256 : i32
    %dma_wait3A_247 = tpu.memref_slice %arg14[%dma_wait3A_246] : memref<512xf32, #tpu.memory_space<vmem>> -> memref<128xf32, #tpu.memory_space<vmem>>
    %dma_wait3A_248 = arith.constant 0 : i32
    %dma_wait3A_249 = tpu.memref_slice %arg10[%dma_wait3A_245, %dma_wait3A_248] : memref<4x128xi32, #tpu.memory_space<vmem>> -> memref<1x128xi32, #tpu.memory_space<vmem>>
    %dma_wait3A_250 = tpu.memref_squeeze %dma_wait3A_249 : memref<1x128xi32, #tpu.memory_space<vmem>> -> memref<128xi32, #tpu.memory_space<vmem>>
    %dma_wait3A_251 = arith.constant 0 : i32
    %dma_wait3A_252 = tpu.memref_slice %arg5[%dma_wait3A_251] : memref<1000000xf32, #tpu.memory_space<hbm>> -> memref<1000000xf32, #tpu.memory_space<hbm>>
    tpu.wait_indirect_dma semaphore(%arg16 : memref<!tpu.dma_semaphore, #tpu.memory_space<semaphore_mem>>) src(%dma_wait3A_252 : memref<1000000xf32, #tpu.memory_space<hbm>>) dst(%dma_wait3A_247 : memref<128xf32, #tpu.memory_space<vmem>>)
    %dma_wait3A_253 = arith.constant 3 : i32
    %dma_wait3A_254 = arith.constant 384 : i32
    %dma_wait3A_255 = arith.constant 0 : i32
    %dma_wait3A_256 = tpu.memref_slice %arg11[%dma_wait3A_254, %dma_wait3A_255] : memref<512x32xf32, #tpu.memory_space<vmem>> -> memref<128x32xf32, #tpu.memory_space<vmem>>
    %dma_wait3A_257 = arith.constant 0 : i32
    %dma_wait3A_258 = tpu.memref_slice %arg9[%dma_wait3A_253, %dma_wait3A_257] : memref<4x128xi32, #tpu.memory_space<vmem>> -> memref<1x128xi32, #tpu.memory_space<vmem>>
    %dma_wait3A_259 = tpu.memref_squeeze %dma_wait3A_258 : memref<1x128xi32, #tpu.memory_space<vmem>> -> memref<128xi32, #tpu.memory_space<vmem>>
    %dma_wait3A_260 = arith.constant 0 : i32
    %dma_wait3A_261 = arith.constant 0 : i32
    %dma_wait3A_262 = tpu.memref_slice %arg2[%dma_wait3A_260, %dma_wait3A_261] : memref<1000000x32xf32, #tpu.memory_space<hbm>> -> memref<1000000x32xf32, #tpu.memory_space<hbm>>
    tpu.wait_indirect_dma semaphore(%arg16 : memref<!tpu.dma_semaphore, #tpu.memory_space<semaphore_mem>>) src(%dma_wait3A_262 : memref<1000000x32xf32, #tpu.memory_space<hbm>>) dst(%dma_wait3A_256 : memref<128x32xf32, #tpu.memory_space<vmem>>)
    %dma_wait3A_263 = arith.constant 3 : i32
    %dma_wait3A_264 = arith.constant 384 : i32
    %dma_wait3A_265 = arith.constant 0 : i32
    %dma_wait3A_266 = tpu.memref_slice %arg12[%dma_wait3A_264, %dma_wait3A_265] : memref<512x32xf32, #tpu.memory_space<vmem>> -> memref<128x32xf32, #tpu.memory_space<vmem>>
    %dma_wait3A_267 = arith.constant 0 : i32
    %dma_wait3A_268 = tpu.memref_slice %arg10[%dma_wait3A_263, %dma_wait3A_267] : memref<4x128xi32, #tpu.memory_space<vmem>> -> memref<1x128xi32, #tpu.memory_space<vmem>>
    %dma_wait3A_269 = tpu.memref_squeeze %dma_wait3A_268 : memref<1x128xi32, #tpu.memory_space<vmem>> -> memref<128xi32, #tpu.memory_space<vmem>>
    %dma_wait3A_270 = arith.constant 0 : i32
    %dma_wait3A_271 = arith.constant 0 : i32
    %dma_wait3A_272 = tpu.memref_slice %arg3[%dma_wait3A_270, %dma_wait3A_271] : memref<1000000x32xf32, #tpu.memory_space<hbm>> -> memref<1000000x32xf32, #tpu.memory_space<hbm>>
    tpu.wait_indirect_dma semaphore(%arg16 : memref<!tpu.dma_semaphore, #tpu.memory_space<semaphore_mem>>) src(%dma_wait3A_272 : memref<1000000x32xf32, #tpu.memory_space<hbm>>) dst(%dma_wait3A_266 : memref<128x32xf32, #tpu.memory_space<vmem>>)
    %dma_wait3A_273 = arith.constant 3 : i32
    %dma_wait3A_274 = arith.constant 384 : i32
    %dma_wait3A_275 = tpu.memref_slice %arg13[%dma_wait3A_274] : memref<512xf32, #tpu.memory_space<vmem>> -> memref<128xf32, #tpu.memory_space<vmem>>
    %dma_wait3A_276 = arith.constant 0 : i32
    %dma_wait3A_277 = tpu.memref_slice %arg9[%dma_wait3A_273, %dma_wait3A_276] : memref<4x128xi32, #tpu.memory_space<vmem>> -> memref<1x128xi32, #tpu.memory_space<vmem>>
    %dma_wait3A_278 = tpu.memref_squeeze %dma_wait3A_277 : memref<1x128xi32, #tpu.memory_space<vmem>> -> memref<128xi32, #tpu.memory_space<vmem>>
    %dma_wait3A_279 = arith.constant 0 : i32
    %dma_wait3A_280 = tpu.memref_slice %arg4[%dma_wait3A_279] : memref<1000000xf32, #tpu.memory_space<hbm>> -> memref<1000000xf32, #tpu.memory_space<hbm>>
    tpu.wait_indirect_dma semaphore(%arg16 : memref<!tpu.dma_semaphore, #tpu.memory_space<semaphore_mem>>) src(%dma_wait3A_280 : memref<1000000xf32, #tpu.memory_space<hbm>>) dst(%dma_wait3A_275 : memref<128xf32, #tpu.memory_space<vmem>>)
    %dma_wait3A_281 = arith.constant 3 : i32
    %dma_wait3A_282 = arith.constant 384 : i32
    %dma_wait3A_283 = tpu.memref_slice %arg14[%dma_wait3A_282] : memref<512xf32, #tpu.memory_space<vmem>> -> memref<128xf32, #tpu.memory_space<vmem>>
    %dma_wait3A_284 = arith.constant 0 : i32
    %dma_wait3A_285 = tpu.memref_slice %arg10[%dma_wait3A_281, %dma_wait3A_284] : memref<4x128xi32, #tpu.memory_space<vmem>> -> memref<1x128xi32, #tpu.memory_space<vmem>>
    %dma_wait3A_286 = tpu.memref_squeeze %dma_wait3A_285 : memref<1x128xi32, #tpu.memory_space<vmem>> -> memref<128xi32, #tpu.memory_space<vmem>>
    %dma_wait3A_287 = arith.constant 0 : i32
    %dma_wait3A_288 = tpu.memref_slice %arg5[%dma_wait3A_287] : memref<1000000xf32, #tpu.memory_space<hbm>> -> memref<1000000xf32, #tpu.memory_space<hbm>>
    tpu.wait_indirect_dma semaphore(%arg16 : memref<!tpu.dma_semaphore, #tpu.memory_space<semaphore_mem>>) src(%dma_wait3A_288 : memref<1000000xf32, #tpu.memory_space<hbm>>) dst(%dma_wait3A_283 : memref<128xf32, #tpu.memory_space<vmem>>)
    %iota3A = tpu.iota {dimensions = array<i32: 0>} : vector<16xi32>
    %scan3A = arith.constant 0 : i32
    %scan3A_289 = arith.constant 0 : i32
    %scan3A_290 = arith.constant 32 : i32
    %scan3A_291 = arith.addi %scan3A_289, %scan3A_290 : i32
    %scan3A_292 = arith.constant 1 : i32
    %scan3A_293 = scf.for %scan3A_297 = %scan3A_289 to %scan3A_291 step %scan3A_292 iter_args(%scan3A_298 = %scan3A) -> (i32)  : i32 {
      %mul3A_299 = arith.constant 16 : i32
      %mul3A_300 = arith.muli %scan3A_297, %mul3A_299 : i32
      %get3A = arith.index_cast %mul3A_300 : i32 to index
      %get3A_301 = tpu.vector_load %arg13[%get3A] {strides = array<i32>} : memref<512xf32, #tpu.memory_space<vmem>>, vector<16xf32>,
      %get3A_302 = arith.index_cast %mul3A_300 : i32 to index
      %get3A_303 = tpu.vector_load %arg14[%get3A_302] {strides = array<i32>} : memref<512xf32, #tpu.memory_space<vmem>>, vector<16xf32>,
      %add3A_304 = arith.addf %get3A_301, %get3A_303 : vector<16xf32>
      %add3A_305 = arith.constant 0 : i32
      %add3A_306 = arith.addi %mul3A_300, %add3A_305 : i32
      %get3A_307 = arith.index_cast %add3A_306 : i32 to index
      %get3A_308 = arith.constant 0 : index
      %get3A_309 = tpu.vector_load %arg11[%get3A_307, %get3A_308] {strides = array<i32>} : memref<512x32xf32, #tpu.memory_space<vmem>>, vector<16xf32>,
      %get3A_310 = arith.index_cast %add3A_306 : i32 to index
      %get3A_311 = arith.constant 0 : index
      %get3A_312 = tpu.vector_load %arg12[%get3A_310, %get3A_311] {strides = array<i32>} : memref<512x32xf32, #tpu.memory_space<vmem>>, vector<16xf32>,
      %mul3A_313 = arith.mulf %get3A_309, %get3A_312 : vector<16xf32>
      %get3A_314 = arith.index_cast %add3A_306 : i32 to index
      %get3A_315 = arith.constant 16 : index
      %get3A_316 = tpu.vector_load %arg11[%get3A_314, %get3A_315] {strides = array<i32>} : memref<512x32xf32, #tpu.memory_space<vmem>>, vector<16xf32>,
      %get3A_317 = arith.index_cast %add3A_306 : i32 to index
      %get3A_318 = arith.constant 16 : index
      %get3A_319 = tpu.vector_load %arg12[%get3A_317, %get3A_318] {strides = array<i32>} : memref<512x32xf32, #tpu.memory_space<vmem>>, vector<16xf32>,
      %mul3A_320 = arith.mulf %get3A_316, %get3A_319 : vector<16xf32>
      %add3A_321 = arith.addf %mul3A_313, %mul3A_320 : vector<16xf32>
      %eq3A = arith.constant 0 : i32
      %eq3A_322 = vector.broadcast %eq3A : i32 to vector<16xi32>
      %eq3A_323 = arith.cmpi eq, %iota3A, %eq3A_322 : vector<16xi32>
      %reduce_sum3A = arith.constant true
      %reduce_sum3A_324 = vector.broadcast %reduce_sum3A : i1 to vector<16xi1>
      %reduce_sum3A_325 = tpu.scan <sum>, %add3A_321 masked %reduce_sum3A_324 : vector<16xf32>, vector<16xi1> -> vector<16xf32>
      %reduce_sum3A_326 = vector.extract %reduce_sum3A_325[15] : f32 from vector<16xf32>
      %broadcast_in_dim3A = vector.broadcast %reduce_sum3A_326 : f32 to vector<16xf32>
      %select_n3A = arith.select %eq3A_323, %broadcast_in_dim3A, %add3A_304 : vector<16xi1>, vector<16xf32>
      %add3A_327 = arith.constant 1 : i32
      %add3A_328 = arith.addi %mul3A_300, %add3A_327 : i32
      %get3A_329 = arith.index_cast %add3A_328 : i32 to index
      %get3A_330 = arith.constant 0 : index
      %get3A_331 = tpu.vector_load %arg11[%get3A_329, %get3A_330] {strides = array<i32>} : memref<512x32xf32, #tpu.memory_space<vmem>>, vector<16xf32>,
      %get3A_332 = arith.index_cast %add3A_328 : i32 to index
      %get3A_333 = arith.constant 0 : index
      %get3A_334 = tpu.vector_load %arg12[%get3A_332, %get3A_333] {strides = array<i32>} : memref<512x32xf32, #tpu.memory_space<vmem>>, vector<16xf32>,
      %mul3A_335 = arith.mulf %get3A_331, %get3A_334 : vector<16xf32>
      %get3A_336 = arith.index_cast %add3A_328 : i32 to index
      %get3A_337 = arith.constant 16 : index
      %get3A_338 = tpu.vector_load %arg11[%get3A_336, %get3A_337] {strides = array<i32>} : memref<512x32xf32, #tpu.memory_space<vmem>>, vector<16xf32>,
      %get3A_339 = arith.index_cast %add3A_328 : i32 to index
      %get3A_340 = arith.constant 16 : index
      %get3A_341 = tpu.vector_load %arg12[%get3A_339, %get3A_340] {strides = array<i32>} : memref<512x32xf32, #tpu.memory_space<vmem>>, vector<16xf32>,
      %mul3A_342 = arith.mulf %get3A_338, %get3A_341 : vector<16xf32>
      %add3A_343 = arith.addf %mul3A_335, %mul3A_342 : vector<16xf32>
      %eq3A_344 = arith.constant 1 : i32
      %eq3A_345 = vector.broadcast %eq3A_344 : i32 to vector<16xi32>
      %eq3A_346 = arith.cmpi eq, %iota3A, %eq3A_345 : vector<16xi32>
      %reduce_sum3A_347 = arith.constant true
      %reduce_sum3A_348 = vector.broadcast %reduce_sum3A_347 : i1 to vector<16xi1>
      %reduce_sum3A_349 = tpu.scan <sum>, %add3A_343 masked %reduce_sum3A_348 : vector<16xf32>, vector<16xi1> -> vector<16xf32>
      %reduce_sum3A_350 = vector.extract %reduce_sum3A_349[15] : f32 from vector<16xf32>
      %broadcast_in_dim3A_351 = vector.broadcast %reduce_sum3A_350 : f32 to vector<16xf32>
      %select_n3A_352 = arith.select %eq3A_346, %broadcast_in_dim3A_351, %select_n3A : vector<16xi1>, vector<16xf32>
      %add3A_353 = arith.constant 2 : i32
      %add3A_354 = arith.addi %mul3A_300, %add3A_353 : i32
      %get3A_355 = arith.index_cast %add3A_354 : i32 to index
      %get3A_356 = arith.constant 0 : index
      %get3A_357 = tpu.vector_load %arg11[%get3A_355, %get3A_356] {strides = array<i32>} : memref<512x32xf32, #tpu.memory_space<vmem>>, vector<16xf32>,
      %get3A_358 = arith.index_cast %add3A_354 : i32 to index
      %get3A_359 = arith.constant 0 : index
      %get3A_360 = tpu.vector_load %arg12[%get3A_358, %get3A_359] {strides = array<i32>} : memref<512x32xf32, #tpu.memory_space<vmem>>, vector<16xf32>,
      %mul3A_361 = arith.mulf %get3A_357, %get3A_360 : vector<16xf32>
      %get3A_362 = arith.index_cast %add3A_354 : i32 to index
      %get3A_363 = arith.constant 16 : index
      %get3A_364 = tpu.vector_load %arg11[%get3A_362, %get3A_363] {strides = array<i32>} : memref<512x32xf32, #tpu.memory_space<vmem>>, vector<16xf32>,
      %get3A_365 = arith.index_cast %add3A_354 : i32 to index
      %get3A_366 = arith.constant 16 : index
      %get3A_367 = tpu.vector_load %arg12[%get3A_365, %get3A_366] {strides = array<i32>} : memref<512x32xf32, #tpu.memory_space<vmem>>, vector<16xf32>,
      %mul3A_368 = arith.mulf %get3A_364, %get3A_367 : vector<16xf32>
      %add3A_369 = arith.addf %mul3A_361, %mul3A_368 : vector<16xf32>
      %eq3A_370 = arith.constant 2 : i32
      %eq3A_371 = vector.broadcast %eq3A_370 : i32 to vector<16xi32>
      %eq3A_372 = arith.cmpi eq, %iota3A, %eq3A_371 : vector<16xi32>
      %reduce_sum3A_373 = arith.constant true
      %reduce_sum3A_374 = vector.broadcast %reduce_sum3A_373 : i1 to vector<16xi1>
      %reduce_sum3A_375 = tpu.scan <sum>, %add3A_369 masked %reduce_sum3A_374 : vector<16xf32>, vector<16xi1> -> vector<16xf32>
      %reduce_sum3A_376 = vector.extract %reduce_sum3A_375[15] : f32 from vector<16xf32>
      %broadcast_in_dim3A_377 = vector.broadcast %reduce_sum3A_376 : f32 to vector<16xf32>
      %select_n3A_378 = arith.select %eq3A_372, %broadcast_in_dim3A_377, %select_n3A_352 : vector<16xi1>, vector<16xf32>
      %add3A_379 = arith.constant 3 : i32
      %add3A_380 = arith.addi %mul3A_300, %add3A_379 : i32
      %get3A_381 = arith.index_cast %add3A_380 : i32 to index
      %get3A_382 = arith.constant 0 : index
      %get3A_383 = tpu.vector_load %arg11[%get3A_381, %get3A_382] {strides = array<i32>} : memref<512x32xf32, #tpu.memory_space<vmem>>, vector<16xf32>,
      %get3A_384 = arith.index_cast %add3A_380 : i32 to index
      %get3A_385 = arith.constant 0 : index
      %get3A_386 = tpu.vector_load %arg12[%get3A_384, %get3A_385] {strides = array<i32>} : memref<512x32xf32, #tpu.memory_space<vmem>>, vector<16xf32>,
      %mul3A_387 = arith.mulf %get3A_383, %get3A_386 : vector<16xf32>
      %get3A_388 = arith.index_cast %add3A_380 : i32 to index
      %get3A_389 = arith.constant 16 : index
      %get3A_390 = tpu.vector_load %arg11[%get3A_388, %get3A_389] {strides = array<i32>} : memref<512x32xf32, #tpu.memory_space<vmem>>, vector<16xf32>,
      %get3A_391 = arith.index_cast %add3A_380 : i32 to index
      %get3A_392 = arith.constant 16 : index
      %get3A_393 = tpu.vector_load %arg12[%get3A_391, %get3A_392] {strides = array<i32>} : memref<512x32xf32, #tpu.memory_space<vmem>>, vector<16xf32>,
      %mul3A_394 = arith.mulf %get3A_390, %get3A_393 : vector<16xf32>
      %add3A_395 = arith.addf %mul3A_387, %mul3A_394 : vector<16xf32>
      %eq3A_396 = arith.constant 3 : i32
      %eq3A_397 = vector.broadcast %eq3A_396 : i32 to vector<16xi32>
      %eq3A_398 = arith.cmpi eq, %iota3A, %eq3A_397 : vector<16xi32>
      %reduce_sum3A_399 = arith.constant true
      %reduce_sum3A_400 = vector.broadcast %reduce_sum3A_399 : i1 to vector<16xi1>
      %reduce_sum3A_401 = tpu.scan <sum>, %add3A_395 masked %reduce_sum3A_400 : vector<16xf32>, vector<16xi1> -> vector<16xf32>
      %reduce_sum3A_402 = vector.extract %reduce_sum3A_401[15] : f32 from vector<16xf32>
      %broadcast_in_dim3A_403 = vector.broadcast %reduce_sum3A_402 : f32 to vector<16xf32>
      %select_n3A_404 = arith.select %eq3A_398, %broadcast_in_dim3A_403, %select_n3A_378 : vector<16xi1>, vector<16xf32>
      %add3A_405 = arith.constant 4 : i32
      %add3A_406 = arith.addi %mul3A_300, %add3A_405 : i32
      %get3A_407 = arith.index_cast %add3A_406 : i32 to index
      %get3A_408 = arith.constant 0 : index
      %get3A_409 = tpu.vector_load %arg11[%get3A_407, %get3A_408] {strides = array<i32>} : memref<512x32xf32, #tpu.memory_space<vmem>>, vector<16xf32>,
      %get3A_410 = arith.index_cast %add3A_406 : i32 to index
      %get3A_411 = arith.constant 0 : index
      %get3A_412 = tpu.vector_load %arg12[%get3A_410, %get3A_411] {strides = array<i32>} : memref<512x32xf32, #tpu.memory_space<vmem>>, vector<16xf32>,
      %mul3A_413 = arith.mulf %get3A_409, %get3A_412 : vector<16xf32>
      %get3A_414 = arith.index_cast %add3A_406 : i32 to index
      %get3A_415 = arith.constant 16 : index
      %get3A_416 = tpu.vector_load %arg11[%get3A_414, %get3A_415] {strides = array<i32>} : memref<512x32xf32, #tpu.memory_space<vmem>>, vector<16xf32>,
      %get3A_417 = arith.index_cast %add3A_406 : i32 to index
      %get3A_418 = arith.constant 16 : index
      %get3A_419 = tpu.vector_load %arg12[%get3A_417, %get3A_418] {strides = array<i32>} : memref<512x32xf32, #tpu.memory_space<vmem>>, vector<16xf32>,
      %mul3A_420 = arith.mulf %get3A_416, %get3A_419 : vector<16xf32>
      %add3A_421 = arith.addf %mul3A_413, %mul3A_420 : vector<16xf32>
      %eq3A_422 = arith.constant 4 : i32
      %eq3A_423 = vector.broadcast %eq3A_422 : i32 to vector<16xi32>
      %eq3A_424 = arith.cmpi eq, %iota3A, %eq3A_423 : vector<16xi32>
      %reduce_sum3A_425 = arith.constant true
      %reduce_sum3A_426 = vector.broadcast %reduce_sum3A_425 : i1 to vector<16xi1>
      %reduce_sum3A_427 = tpu.scan <sum>, %add3A_421 masked %reduce_sum3A_426 : vector<16xf32>, vector<16xi1> -> vector<16xf32>
      %reduce_sum3A_428 = vector.extract %reduce_sum3A_427[15] : f32 from vector<16xf32>
      %broadcast_in_dim3A_429 = vector.broadcast %reduce_sum3A_428 : f32 to vector<16xf32>
      %select_n3A_430 = arith.select %eq3A_424, %broadcast_in_dim3A_429, %select_n3A_404 : vector<16xi1>, vector<16xf32>
      %add3A_431 = arith.constant 5 : i32
      %add3A_432 = arith.addi %mul3A_300, %add3A_431 : i32
      %get3A_433 = arith.index_cast %add3A_432 : i32 to index
      %get3A_434 = arith.constant 0 : index
      %get3A_435 = tpu.vector_load %arg11[%get3A_433, %get3A_434] {strides = array<i32>} : memref<512x32xf32, #tpu.memory_space<vmem>>, vector<16xf32>,
      %get3A_436 = arith.index_cast %add3A_432 : i32 to index
      %get3A_437 = arith.constant 0 : index
      %get3A_438 = tpu.vector_load %arg12[%get3A_436, %get3A_437] {strides = array<i32>} : memref<512x32xf32, #tpu.memory_space<vmem>>, vector<16xf32>,
      %mul3A_439 = arith.mulf %get3A_435, %get3A_438 : vector<16xf32>
      %get3A_440 = arith.index_cast %add3A_432 : i32 to index
      %get3A_441 = arith.constant 16 : index
      %get3A_442 = tpu.vector_load %arg11[%get3A_440, %get3A_441] {strides = array<i32>} : memref<512x32xf32, #tpu.memory_space<vmem>>, vector<16xf32>,
      %get3A_443 = arith.index_cast %add3A_432 : i32 to index
      %get3A_444 = arith.constant 16 : index
      %get3A_445 = tpu.vector_load %arg12[%get3A_443, %get3A_444] {strides = array<i32>} : memref<512x32xf32, #tpu.memory_space<vmem>>, vector<16xf32>,
      %mul3A_446 = arith.mulf %get3A_442, %get3A_445 : vector<16xf32>
      %add3A_447 = arith.addf %mul3A_439, %mul3A_446 : vector<16xf32>
      %eq3A_448 = arith.constant 5 : i32
      %eq3A_449 = vector.broadcast %eq3A_448 : i32 to vector<16xi32>
      %eq3A_450 = arith.cmpi eq, %iota3A, %eq3A_449 : vector<16xi32>
      %reduce_sum3A_451 = arith.constant true
      %reduce_sum3A_452 = vector.broadcast %reduce_sum3A_451 : i1 to vector<16xi1>
      %reduce_sum3A_453 = tpu.scan <sum>, %add3A_447 masked %reduce_sum3A_452 : vector<16xf32>, vector<16xi1> -> vector<16xf32>
      %reduce_sum3A_454 = vector.extract %reduce_sum3A_453[15] : f32 from vector<16xf32>
      %broadcast_in_dim3A_455 = vector.broadcast %reduce_sum3A_454 : f32 to vector<16xf32>
      %select_n3A_456 = arith.select %eq3A_450, %broadcast_in_dim3A_455, %select_n3A_430 : vector<16xi1>, vector<16xf32>
      %add3A_457 = arith.constant 6 : i32
      %add3A_458 = arith.addi %mul3A_300, %add3A_457 : i32
      %get3A_459 = arith.index_cast %add3A_458 : i32 to index
      %get3A_460 = arith.constant 0 : index
      %get3A_461 = tpu.vector_load %arg11[%get3A_459, %get3A_460] {strides = array<i32>} : memref<512x32xf32, #tpu.memory_space<vmem>>, vector<16xf32>,
      %get3A_462 = arith.index_cast %add3A_458 : i32 to index
      %get3A_463 = arith.constant 0 : index
      %get3A_464 = tpu.vector_load %arg12[%get3A_462, %get3A_463] {strides = array<i32>} : memref<512x32xf32, #tpu.memory_space<vmem>>, vector<16xf32>,
      %mul3A_465 = arith.mulf %get3A_461, %get3A_464 : vector<16xf32>
      %get3A_466 = arith.index_cast %add3A_458 : i32 to index
      %get3A_467 = arith.constant 16 : index
      %get3A_468 = tpu.vector_load %arg11[%get3A_466, %get3A_467] {strides = array<i32>} : memref<512x32xf32, #tpu.memory_space<vmem>>, vector<16xf32>,
      %get3A_469 = arith.index_cast %add3A_458 : i32 to index
      %get3A_470 = arith.constant 16 : index
      %get3A_471 = tpu.vector_load %arg12[%get3A_469, %get3A_470] {strides = array<i32>} : memref<512x32xf32, #tpu.memory_space<vmem>>, vector<16xf32>,
      %mul3A_472 = arith.mulf %get3A_468, %get3A_471 : vector<16xf32>
      %add3A_473 = arith.addf %mul3A_465, %mul3A_472 : vector<16xf32>
      %eq3A_474 = arith.constant 6 : i32
      %eq3A_475 = vector.broadcast %eq3A_474 : i32 to vector<16xi32>
      %eq3A_476 = arith.cmpi eq, %iota3A, %eq3A_475 : vector<16xi32>
      %reduce_sum3A_477 = arith.constant true
      %reduce_sum3A_478 = vector.broadcast %reduce_sum3A_477 : i1 to vector<16xi1>
      %reduce_sum3A_479 = tpu.scan <sum>, %add3A_473 masked %reduce_sum3A_478 : vector<16xf32>, vector<16xi1> -> vector<16xf32>
      %reduce_sum3A_480 = vector.extract %reduce_sum3A_479[15] : f32 from vector<16xf32>
      %broadcast_in_dim3A_481 = vector.broadcast %reduce_sum3A_480 : f32 to vector<16xf32>
      %select_n3A_482 = arith.select %eq3A_476, %broadcast_in_dim3A_481, %select_n3A_456 : vector<16xi1>, vector<16xf32>
      %add3A_483 = arith.constant 7 : i32
      %add3A_484 = arith.addi %mul3A_300, %add3A_483 : i32
      %get3A_485 = arith.index_cast %add3A_484 : i32 to index
      %get3A_486 = arith.constant 0 : index
      %get3A_487 = tpu.vector_load %arg11[%get3A_485, %get3A_486] {strides = array<i32>} : memref<512x32xf32, #tpu.memory_space<vmem>>, vector<16xf32>,
      %get3A_488 = arith.index_cast %add3A_484 : i32 to index
      %get3A_489 = arith.constant 0 : index
      %get3A_490 = tpu.vector_load %arg12[%get3A_488, %get3A_489] {strides = array<i32>} : memref<512x32xf32, #tpu.memory_space<vmem>>, vector<16xf32>,
      %mul3A_491 = arith.mulf %get3A_487, %get3A_490 : vector<16xf32>
      %get3A_492 = arith.index_cast %add3A_484 : i32 to index
      %get3A_493 = arith.constant 16 : index
      %get3A_494 = tpu.vector_load %arg11[%get3A_492, %get3A_493] {strides = array<i32>} : memref<512x32xf32, #tpu.memory_space<vmem>>, vector<16xf32>,
      %get3A_495 = arith.index_cast %add3A_484 : i32 to index
      %get3A_496 = arith.constant 16 : index
      %get3A_497 = tpu.vector_load %arg12[%get3A_495, %get3A_496] {strides = array<i32>} : memref<512x32xf32, #tpu.memory_space<vmem>>, vector<16xf32>,
      %mul3A_498 = arith.mulf %get3A_494, %get3A_497 : vector<16xf32>
      %add3A_499 = arith.addf %mul3A_491, %mul3A_498 : vector<16xf32>
      %eq3A_500 = arith.constant 7 : i32
      %eq3A_501 = vector.broadcast %eq3A_500 : i32 to vector<16xi32>
      %eq3A_502 = arith.cmpi eq, %iota3A, %eq3A_501 : vector<16xi32>
      %reduce_sum3A_503 = arith.constant true
      %reduce_sum3A_504 = vector.broadcast %reduce_sum3A_503 : i1 to vector<16xi1>
      %reduce_sum3A_505 = tpu.scan <sum>, %add3A_499 masked %reduce_sum3A_504 : vector<16xf32>, vector<16xi1> -> vector<16xf32>
      %reduce_sum3A_506 = vector.extract %reduce_sum3A_505[15] : f32 from vector<16xf32>
      %broadcast_in_dim3A_507 = vector.broadcast %reduce_sum3A_506 : f32 to vector<16xf32>
      %select_n3A_508 = arith.select %eq3A_502, %broadcast_in_dim3A_507, %select_n3A_482 : vector<16xi1>, vector<16xf32>
      %add3A_509 = arith.constant 8 : i32
      %add3A_510 = arith.addi %mul3A_300, %add3A_509 : i32
      %get3A_511 = arith.index_cast %add3A_510 : i32 to index
      %get3A_512 = arith.constant 0 : index
      %get3A_513 = tpu.vector_load %arg11[%get3A_511, %get3A_512] {strides = array<i32>} : memref<512x32xf32, #tpu.memory_space<vmem>>, vector<16xf32>,
      %get3A_514 = arith.index_cast %add3A_510 : i32 to index
      %get3A_515 = arith.constant 0 : index
      %get3A_516 = tpu.vector_load %arg12[%get3A_514, %get3A_515] {strides = array<i32>} : memref<512x32xf32, #tpu.memory_space<vmem>>, vector<16xf32>,
      %mul3A_517 = arith.mulf %get3A_513, %get3A_516 : vector<16xf32>
      %get3A_518 = arith.index_cast %add3A_510 : i32 to index
      %get3A_519 = arith.constant 16 : index
      %get3A_520 = tpu.vector_load %arg11[%get3A_518, %get3A_519] {strides = array<i32>} : memref<512x32xf32, #tpu.memory_space<vmem>>, vector<16xf32>,
      %get3A_521 = arith.index_cast %add3A_510 : i32 to index
      %get3A_522 = arith.constant 16 : index
      %get3A_523 = tpu.vector_load %arg12[%get3A_521, %get3A_522] {strides = array<i32>} : memref<512x32xf32, #tpu.memory_space<vmem>>, vector<16xf32>,
      %mul3A_524 = arith.mulf %get3A_520, %get3A_523 : vector<16xf32>
      %add3A_525 = arith.addf %mul3A_517, %mul3A_524 : vector<16xf32>
      %eq3A_526 = arith.constant 8 : i32
      %eq3A_527 = vector.broadcast %eq3A_526 : i32 to vector<16xi32>
      %eq3A_528 = arith.cmpi eq, %iota3A, %eq3A_527 : vector<16xi32>
      %reduce_sum3A_529 = arith.constant true
      %reduce_sum3A_530 = vector.broadcast %reduce_sum3A_529 : i1 to vector<16xi1>
      %reduce_sum3A_531 = tpu.scan <sum>, %add3A_525 masked %reduce_sum3A_530 : vector<16xf32>, vector<16xi1> -> vector<16xf32>
      %reduce_sum3A_532 = vector.extract %reduce_sum3A_531[15] : f32 from vector<16xf32>
      %broadcast_in_dim3A_533 = vector.broadcast %reduce_sum3A_532 : f32 to vector<16xf32>
      %select_n3A_534 = arith.select %eq3A_528, %broadcast_in_dim3A_533, %select_n3A_508 : vector<16xi1>, vector<16xf32>
      %add3A_535 = arith.constant 9 : i32
      %add3A_536 = arith.addi %mul3A_300, %add3A_535 : i32
      %get3A_537 = arith.index_cast %add3A_536 : i32 to index
      %get3A_538 = arith.constant 0 : index
      %get3A_539 = tpu.vector_load %arg11[%get3A_537, %get3A_538] {strides = array<i32>} : memref<512x32xf32, #tpu.memory_space<vmem>>, vector<16xf32>,
      %get3A_540 = arith.index_cast %add3A_536 : i32 to index
      %get3A_541 = arith.constant 0 : index
      %get3A_542 = tpu.vector_load %arg12[%get3A_540, %get3A_541] {strides = array<i32>} : memref<512x32xf32, #tpu.memory_space<vmem>>, vector<16xf32>,
      %mul3A_543 = arith.mulf %get3A_539, %get3A_542 : vector<16xf32>
      %get3A_544 = arith.index_cast %add3A_536 : i32 to index
      %get3A_545 = arith.constant 16 : index
      %get3A_546 = tpu.vector_load %arg11[%get3A_544, %get3A_545] {strides = array<i32>} : memref<512x32xf32, #tpu.memory_space<vmem>>, vector<16xf32>,
      %get3A_547 = arith.index_cast %add3A_536 : i32 to index
      %get3A_548 = arith.constant 16 : index
      %get3A_549 = tpu.vector_load %arg12[%get3A_547, %get3A_548] {strides = array<i32>} : memref<512x32xf32, #tpu.memory_space<vmem>>, vector<16xf32>,
      %mul3A_550 = arith.mulf %get3A_546, %get3A_549 : vector<16xf32>
      %add3A_551 = arith.addf %mul3A_543, %mul3A_550 : vector<16xf32>
      %eq3A_552 = arith.constant 9 : i32
      %eq3A_553 = vector.broadcast %eq3A_552 : i32 to vector<16xi32>
      %eq3A_554 = arith.cmpi eq, %iota3A, %eq3A_553 : vector<16xi32>
      %reduce_sum3A_555 = arith.constant true
      %reduce_sum3A_556 = vector.broadcast %reduce_sum3A_555 : i1 to vector<16xi1>
      %reduce_sum3A_557 = tpu.scan <sum>, %add3A_551 masked %reduce_sum3A_556 : vector<16xf32>, vector<16xi1> -> vector<16xf32>
      %reduce_sum3A_558 = vector.extract %reduce_sum3A_557[15] : f32 from vector<16xf32>
      %broadcast_in_dim3A_559 = vector.broadcast %reduce_sum3A_558 : f32 to vector<16xf32>
      %select_n3A_560 = arith.select %eq3A_554, %broadcast_in_dim3A_559, %select_n3A_534 : vector<16xi1>, vector<16xf32>
      %add3A_561 = arith.constant 10 : i32
      %add3A_562 = arith.addi %mul3A_300, %add3A_561 : i32
      %get3A_563 = arith.index_cast %add3A_562 : i32 to index
      %get3A_564 = arith.constant 0 : index
      %get3A_565 = tpu.vector_load %arg11[%get3A_563, %get3A_564] {strides = array<i32>} : memref<512x32xf32, #tpu.memory_space<vmem>>, vector<16xf32>,
      %get3A_566 = arith.index_cast %add3A_562 : i32 to index
      %get3A_567 = arith.constant 0 : index
      %get3A_568 = tpu.vector_load %arg12[%get3A_566, %get3A_567] {strides = array<i32>} : memref<512x32xf32, #tpu.memory_space<vmem>>, vector<16xf32>,
      %mul3A_569 = arith.mulf %get3A_565, %get3A_568 : vector<16xf32>
      %get3A_570 = arith.index_cast %add3A_562 : i32 to index
      %get3A_571 = arith.constant 16 : index
      %get3A_572 = tpu.vector_load %arg11[%get3A_570, %get3A_571] {strides = array<i32>} : memref<512x32xf32, #tpu.memory_space<vmem>>, vector<16xf32>,
      %get3A_573 = arith.index_cast %add3A_562 : i32 to index
      %get3A_574 = arith.constant 16 : index
      %get3A_575 = tpu.vector_load %arg12[%get3A_573, %get3A_574] {strides = array<i32>} : memref<512x32xf32, #tpu.memory_space<vmem>>, vector<16xf32>,
      %mul3A_576 = arith.mulf %get3A_572, %get3A_575 : vector<16xf32>
      %add3A_577 = arith.addf %mul3A_569, %mul3A_576 : vector<16xf32>
      %eq3A_578 = arith.constant 10 : i32
      %eq3A_579 = vector.broadcast %eq3A_578 : i32 to vector<16xi32>
      %eq3A_580 = arith.cmpi eq, %iota3A, %eq3A_579 : vector<16xi32>
      %reduce_sum3A_581 = arith.constant true
      %reduce_sum3A_582 = vector.broadcast %reduce_sum3A_581 : i1 to vector<16xi1>
      %reduce_sum3A_583 = tpu.scan <sum>, %add3A_577 masked %reduce_sum3A_582 : vector<16xf32>, vector<16xi1> -> vector<16xf32>
      %reduce_sum3A_584 = vector.extract %reduce_sum3A_583[15] : f32 from vector<16xf32>
      %broadcast_in_dim3A_585 = vector.broadcast %reduce_sum3A_584 : f32 to vector<16xf32>
      %select_n3A_586 = arith.select %eq3A_580, %broadcast_in_dim3A_585, %select_n3A_560 : vector<16xi1>, vector<16xf32>
      %add3A_587 = arith.constant 11 : i32
      %add3A_588 = arith.addi %mul3A_300, %add3A_587 : i32
      %get3A_589 = arith.index_cast %add3A_588 : i32 to index
      %get3A_590 = arith.constant 0 : index
      %get3A_591 = tpu.vector_load %arg11[%get3A_589, %get3A_590] {strides = array<i32>} : memref<512x32xf32, #tpu.memory_space<vmem>>, vector<16xf32>,
      %get3A_592 = arith.index_cast %add3A_588 : i32 to index
      %get3A_593 = arith.constant 0 : index
      %get3A_594 = tpu.vector_load %arg12[%get3A_592, %get3A_593] {strides = array<i32>} : memref<512x32xf32, #tpu.memory_space<vmem>>, vector<16xf32>,
      %mul3A_595 = arith.mulf %get3A_591, %get3A_594 : vector<16xf32>
      %get3A_596 = arith.index_cast %add3A_588 : i32 to index
      %get3A_597 = arith.constant 16 : index
      %get3A_598 = tpu.vector_load %arg11[%get3A_596, %get3A_597] {strides = array<i32>} : memref<512x32xf32, #tpu.memory_space<vmem>>, vector<16xf32>,
      %get3A_599 = arith.index_cast %add3A_588 : i32 to index
      %get3A_600 = arith.constant 16 : index
      %get3A_601 = tpu.vector_load %arg12[%get3A_599, %get3A_600] {strides = array<i32>} : memref<512x32xf32, #tpu.memory_space<vmem>>, vector<16xf32>,
      %mul3A_602 = arith.mulf %get3A_598, %get3A_601 : vector<16xf32>
      %add3A_603 = arith.addf %mul3A_595, %mul3A_602 : vector<16xf32>
      %eq3A_604 = arith.constant 11 : i32
      %eq3A_605 = vector.broadcast %eq3A_604 : i32 to vector<16xi32>
      %eq3A_606 = arith.cmpi eq, %iota3A, %eq3A_605 : vector<16xi32>
      %reduce_sum3A_607 = arith.constant true
      %reduce_sum3A_608 = vector.broadcast %reduce_sum3A_607 : i1 to vector<16xi1>
      %reduce_sum3A_609 = tpu.scan <sum>, %add3A_603 masked %reduce_sum3A_608 : vector<16xf32>, vector<16xi1> -> vector<16xf32>
      %reduce_sum3A_610 = vector.extract %reduce_sum3A_609[15] : f32 from vector<16xf32>
      %broadcast_in_dim3A_611 = vector.broadcast %reduce_sum3A_610 : f32 to vector<16xf32>
      %select_n3A_612 = arith.select %eq3A_606, %broadcast_in_dim3A_611, %select_n3A_586 : vector<16xi1>, vector<16xf32>
      %add3A_613 = arith.constant 12 : i32
      %add3A_614 = arith.addi %mul3A_300, %add3A_613 : i32
      %get3A_615 = arith.index_cast %add3A_614 : i32 to index
      %get3A_616 = arith.constant 0 : index
      %get3A_617 = tpu.vector_load %arg11[%get3A_615, %get3A_616] {strides = array<i32>} : memref<512x32xf32, #tpu.memory_space<vmem>>, vector<16xf32>,
      %get3A_618 = arith.index_cast %add3A_614 : i32 to index
      %get3A_619 = arith.constant 0 : index
      %get3A_620 = tpu.vector_load %arg12[%get3A_618, %get3A_619] {strides = array<i32>} : memref<512x32xf32, #tpu.memory_space<vmem>>, vector<16xf32>,
      %mul3A_621 = arith.mulf %get3A_617, %get3A_620 : vector<16xf32>
      %get3A_622 = arith.index_cast %add3A_614 : i32 to index
      %get3A_623 = arith.constant 16 : index
      %get3A_624 = tpu.vector_load %arg11[%get3A_622, %get3A_623] {strides = array<i32>} : memref<512x32xf32, #tpu.memory_space<vmem>>, vector<16xf32>,
      %get3A_625 = arith.index_cast %add3A_614 : i32 to index
      %get3A_626 = arith.constant 16 : index
      %get3A_627 = tpu.vector_load %arg12[%get3A_625, %get3A_626] {strides = array<i32>} : memref<512x32xf32, #tpu.memory_space<vmem>>, vector<16xf32>,
      %mul3A_628 = arith.mulf %get3A_624, %get3A_627 : vector<16xf32>
      %add3A_629 = arith.addf %mul3A_621, %mul3A_628 : vector<16xf32>
      %eq3A_630 = arith.constant 12 : i32
      %eq3A_631 = vector.broadcast %eq3A_630 : i32 to vector<16xi32>
      %eq3A_632 = arith.cmpi eq, %iota3A, %eq3A_631 : vector<16xi32>
      %reduce_sum3A_633 = arith.constant true
      %reduce_sum3A_634 = vector.broadcast %reduce_sum3A_633 : i1 to vector<16xi1>
      %reduce_sum3A_635 = tpu.scan <sum>, %add3A_629 masked %reduce_sum3A_634 : vector<16xf32>, vector<16xi1> -> vector<16xf32>
      %reduce_sum3A_636 = vector.extract %reduce_sum3A_635[15] : f32 from vector<16xf32>
      %broadcast_in_dim3A_637 = vector.broadcast %reduce_sum3A_636 : f32 to vector<16xf32>
      %select_n3A_638 = arith.select %eq3A_632, %broadcast_in_dim3A_637, %select_n3A_612 : vector<16xi1>, vector<16xf32>
      %add3A_639 = arith.constant 13 : i32
      %add3A_640 = arith.addi %mul3A_300, %add3A_639 : i32
      %get3A_641 = arith.index_cast %add3A_640 : i32 to index
      %get3A_642 = arith.constant 0 : index
      %get3A_643 = tpu.vector_load %arg11[%get3A_641, %get3A_642] {strides = array<i32>} : memref<512x32xf32, #tpu.memory_space<vmem>>, vector<16xf32>,
      %get3A_644 = arith.index_cast %add3A_640 : i32 to index
      %get3A_645 = arith.constant 0 : index
      %get3A_646 = tpu.vector_load %arg12[%get3A_644, %get3A_645] {strides = array<i32>} : memref<512x32xf32, #tpu.memory_space<vmem>>, vector<16xf32>,
      %mul3A_647 = arith.mulf %get3A_643, %get3A_646 : vector<16xf32>
      %get3A_648 = arith.index_cast %add3A_640 : i32 to index
      %get3A_649 = arith.constant 16 : index
      %get3A_650 = tpu.vector_load %arg11[%get3A_648, %get3A_649] {strides = array<i32>} : memref<512x32xf32, #tpu.memory_space<vmem>>, vector<16xf32>,
      %get3A_651 = arith.index_cast %add3A_640 : i32 to index
      %get3A_652 = arith.constant 16 : index
      %get3A_653 = tpu.vector_load %arg12[%get3A_651, %get3A_652] {strides = array<i32>} : memref<512x32xf32, #tpu.memory_space<vmem>>, vector<16xf32>,
      %mul3A_654 = arith.mulf %get3A_650, %get3A_653 : vector<16xf32>
      %add3A_655 = arith.addf %mul3A_647, %mul3A_654 : vector<16xf32>
      %eq3A_656 = arith.constant 13 : i32
      %eq3A_657 = vector.broadcast %eq3A_656 : i32 to vector<16xi32>
      %eq3A_658 = arith.cmpi eq, %iota3A, %eq3A_657 : vector<16xi32>
      %reduce_sum3A_659 = arith.constant true
      %reduce_sum3A_660 = vector.broadcast %reduce_sum3A_659 : i1 to vector<16xi1>
      %reduce_sum3A_661 = tpu.scan <sum>, %add3A_655 masked %reduce_sum3A_660 : vector<16xf32>, vector<16xi1> -> vector<16xf32>
      %reduce_sum3A_662 = vector.extract %reduce_sum3A_661[15] : f32 from vector<16xf32>
      %broadcast_in_dim3A_663 = vector.broadcast %reduce_sum3A_662 : f32 to vector<16xf32>
      %select_n3A_664 = arith.select %eq3A_658, %broadcast_in_dim3A_663, %select_n3A_638 : vector<16xi1>, vector<16xf32>
      %add3A_665 = arith.constant 14 : i32
      %add3A_666 = arith.addi %mul3A_300, %add3A_665 : i32
      %get3A_667 = arith.index_cast %add3A_666 : i32 to index
      %get3A_668 = arith.constant 0 : index
      %get3A_669 = tpu.vector_load %arg11[%get3A_667, %get3A_668] {strides = array<i32>} : memref<512x32xf32, #tpu.memory_space<vmem>>, vector<16xf32>,
      %get3A_670 = arith.index_cast %add3A_666 : i32 to index
      %get3A_671 = arith.constant 0 : index
      %get3A_672 = tpu.vector_load %arg12[%get3A_670, %get3A_671] {strides = array<i32>} : memref<512x32xf32, #tpu.memory_space<vmem>>, vector<16xf32>,
      %mul3A_673 = arith.mulf %get3A_669, %get3A_672 : vector<16xf32>
      %get3A_674 = arith.index_cast %add3A_666 : i32 to index
      %get3A_675 = arith.constant 16 : index
      %get3A_676 = tpu.vector_load %arg11[%get3A_674, %get3A_675] {strides = array<i32>} : memref<512x32xf32, #tpu.memory_space<vmem>>, vector<16xf32>,
      %get3A_677 = arith.index_cast %add3A_666 : i32 to index
      %get3A_678 = arith.constant 16 : index
      %get3A_679 = tpu.vector_load %arg12[%get3A_677, %get3A_678] {strides = array<i32>} : memref<512x32xf32, #tpu.memory_space<vmem>>, vector<16xf32>,
      %mul3A_680 = arith.mulf %get3A_676, %get3A_679 : vector<16xf32>
      %add3A_681 = arith.addf %mul3A_673, %mul3A_680 : vector<16xf32>
      %eq3A_682 = arith.constant 14 : i32
      %eq3A_683 = vector.broadcast %eq3A_682 : i32 to vector<16xi32>
      %eq3A_684 = arith.cmpi eq, %iota3A, %eq3A_683 : vector<16xi32>
      %reduce_sum3A_685 = arith.constant true
      %reduce_sum3A_686 = vector.broadcast %reduce_sum3A_685 : i1 to vector<16xi1>
      %reduce_sum3A_687 = tpu.scan <sum>, %add3A_681 masked %reduce_sum3A_686 : vector<16xf32>, vector<16xi1> -> vector<16xf32>
      %reduce_sum3A_688 = vector.extract %reduce_sum3A_687[15] : f32 from vector<16xf32>
      %broadcast_in_dim3A_689 = vector.broadcast %reduce_sum3A_688 : f32 to vector<16xf32>
      %select_n3A_690 = arith.select %eq3A_684, %broadcast_in_dim3A_689, %select_n3A_664 : vector<16xi1>, vector<16xf32>
      %add3A_691 = arith.constant 15 : i32
      %add3A_692 = arith.addi %mul3A_300, %add3A_691 : i32
      %get3A_693 = arith.index_cast %add3A_692 : i32 to index
      %get3A_694 = arith.constant 0 : index
      %get3A_695 = tpu.vector_load %arg11[%get3A_693, %get3A_694] {strides = array<i32>} : memref<512x32xf32, #tpu.memory_space<vmem>>, vector<16xf32>,
      %get3A_696 = arith.index_cast %add3A_692 : i32 to index
      %get3A_697 = arith.constant 0 : index
      %get3A_698 = tpu.vector_load %arg12[%get3A_696, %get3A_697] {strides = array<i32>} : memref<512x32xf32, #tpu.memory_space<vmem>>, vector<16xf32>,
      %mul3A_699 = arith.mulf %get3A_695, %get3A_698 : vector<16xf32>
      %get3A_700 = arith.index_cast %add3A_692 : i32 to index
      %get3A_701 = arith.constant 16 : index
      %get3A_702 = tpu.vector_load %arg11[%get3A_700, %get3A_701] {strides = array<i32>} : memref<512x32xf32, #tpu.memory_space<vmem>>, vector<16xf32>,
      %get3A_703 = arith.index_cast %add3A_692 : i32 to index
      %get3A_704 = arith.constant 16 : index
      %get3A_705 = tpu.vector_load %arg12[%get3A_703, %get3A_704] {strides = array<i32>} : memref<512x32xf32, #tpu.memory_space<vmem>>, vector<16xf32>,
      %mul3A_706 = arith.mulf %get3A_702, %get3A_705 : vector<16xf32>
      %add3A_707 = arith.addf %mul3A_699, %mul3A_706 : vector<16xf32>
      %eq3A_708 = arith.constant 15 : i32
      %eq3A_709 = vector.broadcast %eq3A_708 : i32 to vector<16xi32>
      %eq3A_710 = arith.cmpi eq, %iota3A, %eq3A_709 : vector<16xi32>
      %reduce_sum3A_711 = arith.constant true
      %reduce_sum3A_712 = vector.broadcast %reduce_sum3A_711 : i1 to vector<16xi1>
      %reduce_sum3A_713 = tpu.scan <sum>, %add3A_707 masked %reduce_sum3A_712 : vector<16xf32>, vector<16xi1> -> vector<16xf32>
      %reduce_sum3A_714 = vector.extract %reduce_sum3A_713[15] : f32 from vector<16xf32>
      %broadcast_in_dim3A_715 = vector.broadcast %reduce_sum3A_714 : f32 to vector<16xf32>
      %select_n3A_716 = arith.select %eq3A_710, %broadcast_in_dim3A_715, %select_n3A_690 : vector<16xi1>, vector<16xf32>
      %swap3A = arith.index_cast %mul3A_300 : i32 to index
      %swap3A_717 = tpu.vector_load %arg15[%swap3A] {strides = array<i32>} : memref<512xf32, #tpu.memory_space<vmem>>, vector<16xf32>,
      tpu.vector_store %arg15[%swap3A], %select_n3A_716 {strides = array<i32>} : memref<512xf32, #tpu.memory_space<vmem>>, vector<16xf32>,
      %scan3A_718 = arith.constant 0 : i32
      scf.yield %scan3A_718 : i32
    }
    %scan3A_294 = arith.constant 32 : i32
    %mul3A_295 = arith.constant 512 : i32
    %mul3A_296 = arith.muli %add3A, %mul3A_295 : i32
    "tpu.region"() ({
      %run_scoped3A = tpu.sem_alloc : memref<!tpu.dma_semaphore, #tpu.memory_space<semaphore_mem>>
      %dma_start3A_297 = tpu.memref_slice %arg8[%mul3A_296] : memref<16384xf32, #tpu.memory_space<hbm>> -> memref<512xf32, #tpu.memory_space<hbm>>
      %dma_start3A_298 = tpu.memref_slice %arg8[%mul3A_296] : memref<16384xf32, #tpu.memory_space<hbm>> -> memref<512xf32, #tpu.memory_space<hbm>>
      tpu.enqueue_dma source(%arg15 : memref<512xf32, #tpu.memory_space<vmem>>) target(%dma_start3A_298 : memref<512xf32, #tpu.memory_space<hbm>>) target_semaphore(%run_scoped3A : memref<!tpu.dma_semaphore, #tpu.memory_space<semaphore_mem>>)
      %dma_wait3A_299 = tpu.memref_slice %arg8[%mul3A_296] : memref<16384xf32, #tpu.memory_space<hbm>> -> memref<512xf32, #tpu.memory_space<hbm>>
      %dma_wait3A_300 = tpu.memref_slice %arg8[%mul3A_296] : memref<16384xf32, #tpu.memory_space<hbm>> -> memref<512xf32, #tpu.memory_space<hbm>>
      tpu.wait_dma2 semaphore(%run_scoped3A : memref<!tpu.dma_semaphore, #tpu.memory_space<semaphore_mem>>) src(%arg15 : memref<512xf32, #tpu.memory_space<vmem>>) dst(%dma_wait3A_300 : memref<512xf32, #tpu.memory_space<hbm>>)
      tpu.yield
    }) : () -> ()
    return
  }
}

</mosaic_0001>

<sc_bundles>
// kernel: kernel.3.cloned.1.call-start
scs
__scs_entry_jumppad:
0x0: {  	(pc) =	sbr.rel $0x88, $3  }
0x1: {  	(tag) =	ssettag $0x0;
	lr =	simm.s32 $0x1  }
0x2: {  	[smem:$0x3F9B] =	sst lr;
	_ =	strace $0xD0000000  }
0x3: {  	_ = 	snop  }
0x4: {  	_ = 	snop  }
0x5: {  	_ = 	snop  }
0x6: {  	_ = 	snop  }
0x7: {  	_ = 	snop  }
__scs_overlays_trampoline_lowered:
0x8: {  	[smem:$0x3FAA] =	sst s0  }
0x9: {  	[smem:$0x3FAB] =	sst s1  }
0xa: {  	[smem:$0x3FAC] =	sst s2  }
0xb: {  	[smem:$0x3FAD] =	sst s3  }
0xc: {  	[smem:$0x3FAE] =	sst s4  }
0xd: {  	[smem:$0x3FAF] =	sst s5  }
0xe: {  	[smem:$0x3FB0] =	sst s6  }
0xf: {  	[smem:$0x3FB1] =	sst s7  }
0x10: {  	[smem:$0x3FB2] =	sst s8  }
0x11: {  	[smem:$0x3FB3] =	sst s9;
	s0 =	simm.s32 @!p0 $0x0  }
0x12: {  	s1 =	sld [smem:$0x3F99];
	s0 =	simm.s32 @p0 $0x1  }
0x13: {  	[smem:$0x3FB4] =	sst s0;
	s0 =	simm.s32 @!p1 $0x0  }
0x14: {  	s2 =	sld [smem:$0x3F98];
	s0 =	simm.s32 @p1 $0x1  }
0x15: {  	[smem:$0x3FB5] =	sst s0;
	s0 =	simm.s32 @!p2 $0x0  }
0x16: {  	s3 =	sld [smem:$0x3FDB];
	s0 =	simm.s32 @p2 $0x1  }
0x17: {  	s4 =	simm.s32 $0x1BF5;
	[smem:$0x3FB7] =	sst s0  }
0x18: {  	s0 =	sld [smem:$0x3F9A];
	_ =	swait.ge [sflag:s4], $0x0  }
0x19: {  	s7 =	sld [smem:$0x3F9B]  }
0x1a: {  	s8 =	sadd.s32 $0xFFFFE003, lr  }
0x1b: {  	s9 =	sadd.s32 $0xFFFFFEF7, lr;
	s5 =	simm.s32 $0xFFFFFFFF;
	p2 =	slt.u32 s8, $0xFFFFF086  }
0x1c: {  	p1 =	slt.u32 s9, $0xF7A;
	s5 =	simm.s32 @!p2 $0x0  }
0x1d: {  	s5 =	simm.s32 @p1 $0x1;
	p0 =	seq.s32 s7, s2  }
0x1e: {  	s7 =	smul.u32 @!p0 $0xF7A, s2;
	p2 =	seq.s32 @!p0 s5, $0x0  }
0x1f: {  	s9 =	smul.u32 $0xF7A, s1;
	s8 =	simm.s32 @!p0 $0x1BF5;
	p2 =	por !p2, p0  }
0x20: {  	[sflag:s8] =	ssyncset.s32 @!p0 $0xFFFFF086;
	s6 =	sadd.s32 @!p0 s3, s7;
	s7 =	simm.s32 @!p0 $0x108  }
0x21: {  	s3 =	sadd.s32 s3, s9;
	s6 =	sadd.s32 @!p0 $0x88, s6;
	s7 =	simm.s32 @p2 $0x1082  }
0x22: {  	[simem:s7], [sflag:s8] =	dma.local @!p0 [hbm:s6], $0xF7A  }
0x23: {  	s9 =	sor.u32 $0xD0000000, s2;
	s6 =	simm.s32 $0x108;
	_ =	swait.ge @!p0 [sflag:s8], $0x0  }
0x24: {  	s3 =	sadd.s32 $0x88, s3;
	s6 =	simm.s32 @!p1 $0x1082;
	[sflag:s4] =	ssyncset.s32 $0xFFFFF086  }
0x25: {  	[simem:s6], [sflag:s4] =	dma.local [hbm:s3], $0xF7A  }
0x26: {  	[smem:$0x3F9B] =	sst s1;
	(tag) =	ssettag s2;
	_ =	strace s9  }
0x27: {  	s1 =	sld [smem:$0x3FAB]  }
0x28: {  	s2 =	sld [smem:$0x3FAC]  }
0x29: {  	s4 =	sld [smem:$0x3FAE]  }
0x2a: {  	p0 =	seq.s32 s5, $0x0;
	s5 =	sld [smem:$0x3FAF]  }
0x2b: {  	s6 =	sld [smem:$0x3FB0]  }
0x2c: {  	s7 =	sld [smem:$0x3FB1]  }
0x2d: {  	s3 =	simm.s32 $0x108;
	s8 =	sld [smem:$0x3FB2]  }
0x2e: {  	s3 =	simm.s32 @!p0 $0x1082;
	s9 =	sld [smem:$0x3FB3]  }
0x2f: {  	lr =	sadd.s32 s0, s3;
	s0 =	sld [smem:$0x3FAA]  }
0x30: {  	s3 =	sld [smem:$0x3FAD]  }
0x31: {  	[smem:$0x3FB6] =	sst s10  }
0x32: {  	s10 =	sld [smem:$0x3FB4];
	_ =	sdelay $0x3  }
0x33: {  	p0 =	seq.s32 s10, $0x1;
	s10 =	sld [smem:$0x3FB6];
	_ =	sdelay $0x3  }
0x34: {  	[smem:$0x3FB6] =	sst s10  }
0x35: {  	s10 =	sld [smem:$0x3FB5];
	_ =	sdelay $0x3  }
0x36: {  	p1 =	seq.s32 s10, $0x1;
	s10 =	sld [smem:$0x3FB6];
	_ =	sdelay $0x3  }
0x37: {  	[smem:$0x3FB6] =	sst s10  }
0x38: {  	s10 =	sld [smem:$0x3FB7]  }
0x39: {  	_ = 	snop;
	(pc) =	sbr.ind lr, $3  }
0x3a: {  	_ = 	snop  }
0x3b: {  	_ = 	snop  }
0x3c: {  	p2 =	seq.s32 s10, $0x1;
	s10 =	sld [smem:$0x3FB6]  }
0x3d: {  	_ =	shalt  }
0x3e: {  	_ =	shalt  }
0x3f: {  	_ =	shalt  }
0x40: {  	_ =	shalt  }
0x41: {  	_ =	shalt  }
0x42: {  	_ =	shalt  }
0x43: {  	_ =	shalt  }
0x44: {  	_ =	shalt  }
0x45: {  	_ =	shalt  }
0x46: {  	_ =	shalt  }
0x47: {  	_ =	shalt  }
0x48: {  	_ =	shalt  }
0x49: {  	_ =	shalt  }
0x4a: {  	_ =	shalt  }
0x4b: {  	_ =	shalt  }
0x4c: {  	_ =	shalt  }
0x4d: {  	_ =	shalt  }
0x4e: {  	_ =	shalt  }
0x4f: {  	_ =	shalt  }
0x50: {  	_ =	shalt  }
0x51: {  	_ =	shalt  }
0x52: {  	_ =	shalt  }
0x53: {  	_ =	shalt  }
0x54: {  	_ =	shalt  }
0x55: {  	_ =	shalt  }
0x56: {  	_ =	shalt  }
0x57: {  	_ =	shalt  }
0x58: {  	_ =	shalt  }
0x59: {  	_ =	shalt  }
0x5a: {  	_ =	shalt  }
0x5b: {  	_ =	shalt  }
0x5c: {  	_ =	shalt  }
0x5d: {  	_ =	shalt  }
0x5e: {  	_ =	shalt  }
0x5f: {  	_ =	shalt  }
0x60: {  	_ =	shalt  }
0x61: {  	_ =	shalt  }
0x62: {  	_ =	shalt  }
0x63: {  	_ =	shalt  }
0x64: {  	_ =	shalt  }
0x65: {  	_ =	shalt  }
0x66: {  	_ =	shalt  }
0x67: {  	_ =	shalt  }
0x68: {  	_ =	shalt  }
0x69: {  	_ =	shalt  }
0x6a: {  	_ =	shalt  }
0x6b: {  	_ =	shalt  }
0x6c: {  	_ =	shalt  }
0x6d: {  	_ =	shalt  }
0x6e: {  	_ =	shalt  }
0x6f: {  	_ =	shalt  }
0x70: {  	_ =	shalt  }
0x71: {  	_ =	shalt  }
0x72: {  	_ =	shalt  }
0x73: {  	_ =	shalt  }
0x74: {  	_ =	shalt  }
0x75: {  	_ =	shalt  }
0x76: {  	_ =	shalt  }
0x77: {  	_ =	shalt  }
0x78: {  	_ =	shalt  }
0x79: {  	_ =	shalt  }
0x7a: {  	_ =	shalt  }
0x7b: {  	_ =	shalt  }
0x7c: {  	_ =	shalt  }
0x7d: {  	_ =	shalt  }
0x7e: {  	_ =	shalt  }
0x7f: {  	_ =	shalt  }
0x80: {  	_ =	shalt  }
0x81: {  	_ =	shalt  }
0x82: {  	_ =	shalt  }
0x83: {  	_ =	shalt  }
0x84: {  	_ =	shalt  }
0x85: {  	_ =	shalt  }
0x86: {  	_ =	shalt  }
0x87: {  	_ =	shalt  }
.Lfunc_end0:
.L_simem_size_0:
called_computation_lowered:
.L_overlay_start_0:
0x88: {  	s2 =	sld [smem:$0x3FD9]  }
0x89: {  	s3 =	sld [smem:$0x3FFE];
	_ =	sdelay $0x1  }
0x8a: {  	s1 =	srdreg.scid  }
0x8b: {  	s0 =	sand.u32 $0x1, s1  }
0x8c: {  	s17 =	sshll.u32 s0, $0xA;
	s2 =	sadd.s32 s3, s2  }
0x8d: {  	s2 =	sadd.s32 s2, s17  }
0x8e: {  	[smem:$0x3FC2] =	sst s2  }
0x8f: {  	_ = 	snop  }
0x90: {  	s2 =	sld [smem:$0x3FC5]  }
0x91: {  	s18 =	sld [smem:$0x3FC4]  }
0x92: {  	s4 =	sld [smem:$0x3FD0];
	(tm) =	ssettm $0x1  }
0x93: {  	s5 =	sld [smem:$0x3FFB];
	_ =	sdelay $0x3  }
0x94: {  	_ =	strace s5  }
0x95: {  	s5 =	sld [smem:$0x3FFC];
	_ =	sdelay $0x3  }
0x96: {  	_ =	strace s5  }
0x97: {  	s5 =	sld [smem:$0x3FFD];
	_ =	sdelay $0x3  }
0x98: {  	_ =	strace s5  }
0x99: {  	_ =	strace $0x8FFFFFFF  }
0x9a: {  	s19 =	sld [smem:$0x3FDB];
	_ =	sdelay $0x1  }
0x9b: {  	s6 =	simm.s32 $_scs_section_size  }
0x9c: {  	s7 =	simm.s32 $_size__tile_overlayer_lowered;
	s8 =	simm.s32 $_tile_overlayer_lowered  }
0x9d: {  	s22 =	simm.s32 $0x1BFF;
	s21 =	sshll.u32 s8, $0x1;
	s5 =	sadd.s32 s6, s19  }
0x9e: {  	s9 =	simm.s32 $0x0;
	s20 =	sshll.u32 s7, $0x1;
	s7 =	sadd.s32 s21, s5  }
0x9f: {  	[timem:s9], [sflag:s22] =	dma.local [hbm:s7], s20  }
0xa0: {  	_ =	swait.ge [sflag:s22], s20  }
0xa1: {  	s6 =	ssub.s32 $0x0, s20;
	[sflag:s22] =	ssyncset.done $0x0  }
0xa2: {  	[sflag:s22] =	ssyncadd.s32 s6;
	_ =	sdelay $0x1  }
0xa3: {  	s23 =	simm.s32 $0x1B8B  }
0xa4: {  	_ =	swait.ge [sflag:s23], $0x1  }
0xa5: {  	[sflag:s23] =	ssyncset.done $0x0  }
0xa6: {  	s25 =	simm.s32 $0x1B8E;
	s24 =	sld [smem:$0x3FFE];
	[sflag:s23] =	ssyncadd.s32 $0xFFFFFFFF  }
0xa7: {  	s26 =	simm.s32 $execute0_lowered;
	[smem:$0x3FD2] =	sst s25  }
0xa8: {  	s7 =	sshll.u32 s26, $0x1;
	_ =	strace $0x80000046;
	[dreg:$0x1] =	wrdreg $0xFFFFFFFF  }
0xa9: {  	s28 =	simm.s32 $_size_execute0_lowered;
	s5 =	sadd.s32 s5, s7;
	[dreg:$0x0] =	wrdreg $0x0  }
0xaa: {  	s7 =	sshll.u32 s28, $0x1;
	[dreg:$0x2] =	wrdreg s5  }
0xab: {  	[dreg:$0x3] =	wrdreg s7  }
0xac: {  	[dreg:$0x4] =	wrdreg $0xC0  }
0xad: {  	_ =	task [dreg:s9], $0x5FFFF  }
0xae: {  	[dreg:$0x1] =	wrdreg $0xFFFFFFFF  }
0xaf: {  	[dreg:$0x0] =	wrdreg $0x60  }
0xb0: {  	[dreg:$0x2] =	wrdreg s24  }
0xb1: {  	[dreg:$0x3] =	wrdreg s2  }
0xb2: {  	[dreg:$0x4] =	wrdreg s18  }
0xb3: {  	[dreg:$0x5] =	wrdreg s4  }
0xb4: {  	[dreg:$0x6] =	wrdreg $0x9  }
0xb5: {  	_ =	task.clear_ibuf [dreg:s9], $0x7FFFF;
	_ =	strace $0x90000046  }
0xb6: {  	s29 =	simm.s32 $0x9;
	_ =	strace $0x80000048  }
0xb7: {  	_ =	swait.ge [sflag:s29], $0x1  }
0xb8: {  	[sflag:s29] =	ssyncadd.s32 $0xFFFFFFFF  }
0xb9: {  	_ =	strace $0x90000048  }
0xba: {  	_ =	sfence  }
0xbb: {  	s30 =	sld [smem:$0x0];
	_ =	sdelay $0x2  }
0xbc: {  	s31 =	sshll.u32 s1, $0xD;
	s1 =	sshrl.u32 s1, $0x2  }
0xbd: {  	s3 =	sand.u32 $0x4000, s31;
	s1 =	sadd.s32 s1, s30  }
0xbe: {  	s0 =	sor.u32 s3, s0;
	s1 =	sshll.u32 s1, $0x11  }
0xbf: {  	s0 =	sor.u32 s1, s0  }
0xc0: {  	s0 =	sadd.s32 $0x8F2B, s0  }
0xc1: {  	[sflag:s0] =	ssyncadd.remote.s32 $0x1  }
0xc2: {  	_ =	sfence.sel $0xFFFF  }
0xc3: {  	[dreg:$0x0] =	wrdreg $0xFFFFFFFF;
	(pc) =	sbr.abs _section_cstart, $3  }
0xc4: {  	[dreg:$0x1] =	wrdreg $0xFFFFFFFF  }
0xc5: {  	_ =	task.clear_ibuf [dreg:s9], $0x2FFFF;
	_ =	strace $0x9FFFFFFF  }
0xc6: {  	(tm) =	ssettm $0x7FFFFFFF  }
0xc7: {  	_ =	shalt  }
tec
execute0_lowered:
.L_overlay_start_1:
0x0: {  	(tag) =	ssettag $0x1  }
0x1: {  	s1 =	rddreg [dreg:$0x0]  }
0x2: {  	s0 =	rddreg [dreg:$0x1]  }
0x3: {  	s3 =	rddreg [dreg:$0x2]  }
0x4: {  	s9 =	rddreg [dreg:$0x3];
	s2 =	simm.s32 $0x0;
	s5 =	srdreg.scid  }
0x5: {  	s6 =	stileid.u32;
	s12 =	simm.s32 $0x200;
	s13 =	simm.s32 $0x80  }
0x6: {  	s19 =	simm.s32 $0x280;
	s23 =	simm.s32 $0x100;
	s24 =	simm.s32 $0x2400  }
0x7: {  	s25 =	simm.s32 $0x300;
	s26 =	simm.s32 $0x6400;
	s28 =	simm.s32 $0x8500  }
0x8: {  	s29 =	simm.s32 $0x8700;
	s30 =	simm.s32 $0x180;
	s31 =	simm.s32 $0x3400  }
0x9: {  	s14 =	simm.s32 $0x8580;
	s15 =	simm.s32 $0x8780;
	s16 =	simm.s32 $0x1  }
0xa: {  	s17 =	simm.s32 $0x8800;
	s18 =	simm.s32 $0x0;
	[smem:$0x7FF] =	sst s2  }
0xb: {  	s4 =	sadd.s32 $0x1312E00, s1;
	s5 =	sand.u32 $0x1, s5;
	s6 =	sshll.u32 s6, $0x7  }
0xc: {  	vm0 =	vmmov $0x1;
	vm1 =	vmmov $0x3;
	vm2 =	vmmov $0x7;
	_ =	strace $0x80000047;
	s7 =	ssub.s32 $0x2, s5;
	s8 =	sshll.u32 s5, $0x6  }
0xd: {  	vm3 =	vmmov $0xf;
	vm4 =	vmmov $0x1f;
	vm5 =	vmmov $0x3f;
	s5 =	sadd.s32 $0xF42400, s1;
	s10 =	sshrl.u32 s7, $0x1;
	s11 =	sor.u32 s8, s6  }
0xe: {  	vm6 =	vmmov $0x7f;
	vm7 =	vmmov $0xff;
	vm8 =	vmmov $0x1ff;
	s6 =	sadd.s32 $0x1EA00, s1;
	s10 =	ssub.s32 s7, s10;
	s7 =	sadd.s32 s0, s11  }
0xf: {  	vm9 =	vmmov $0x3ff;
	vm10 =	vmmov $0x7ff;
	vm11 =	vmmov $0xfff;
	s8 =	sadd.s32 s3, s11;
	s9 =	sadd.s32 s9, s11;
	s11 =	simm.s32 $0x2  }
0x10: {  	vm12 =	vmmov $0x1fff;
	vm13 =	vmmov $0x3fff;
	vm14 =	vmmov $0x7fff;
	s0 =	simm.s32 $0x380;
	s3 =	simm.s32 $0x7400;
	s10 =	smax.u32 s10, $0x1  }
.LBB2_1:
0x11: {  	[tilespmem:s2], [sflag:$0x2] =	stream.linear.gather [hbm4b:s7+s2], $0x200, $0x38;
	[tilespmem:$0x8A00] =	vst v63  }
0x12: {  	_ =	swait.ge [sflag:s11], $0x200  }
0x13: {  	[sflag:s11] =	ssyncset.done $0x0  }
0x14: {  	[sflag:s11] =	ssyncadd.s32 $0xFFFFFE00  }
0x15: {  	[tilespmem:s12], [sflag:$0x2] =	stream.linear.gather [hbm4b:s8+s2], $0x200, $0x38;
	[tilespmem:$0x8A00] =	vst v63  }
0x16: {  	_ =	swait.ge [sflag:s11], $0x200  }
0x17: {  	[sflag:s11] =	ssyncset.done $0x0  }
0x18: {  	s20 =	simm.s32 $0x400;
	[sflag:s11] =	ssyncadd.s32 $0xFFFFFE00  }
0x19: {  	[tilespmem:s20], [sflag:$0x1] =	stream.indirect.gather [hbm4b:s4+s13], $0x20, s2, s13, $0xb8;
	[tilespmem:$0x8A00] =	vst v63  }
0x1a: {  	s21 =	simm.s32 $0x4400  }
0x1b: {  	[tilespmem:s21], [sflag:$0x1] =	stream.indirect.gather [hbm4b:s5+s13], $0x20, s12, s13, $0xb8;
	[tilespmem:$0x8A00] =	vst v63  }
0x1c: {  	s22 =	simm.s32 $0x8400  }
0x1d: {  	[tilespmem:s22], [sflag:$0x1] =	stream.indirect.gather [hbm4b:s6+s13], $0x1, s2, s13, $0xb8;
	[tilespmem:$0x8A00] =	vst v63  }
0x1e: {  	s21 =	simm.s32 $0x8600  }
0x1f: {  	[tilespmem:s21], [sflag:$0x1] =	stream.indirect.gather [hbm4b:s1+s13], $0x1, s12, s13, $0xb8;
	[tilespmem:$0x8A00] =	vst v63  }
0x20: {  	s22 =	simm.s32 $0x1400  }
0x21: {  	[tilespmem:s22], [sflag:$0x1] =	stream.indirect.gather [hbm4b:s4+s13], $0x20, s13, s13, $0xb8;
	[tilespmem:$0x8A00] =	vst v63  }
0x22: {  	s21 =	simm.s32 $0x5400  }
0x23: {  	[tilespmem:s21], [sflag:$0x1] =	stream.indirect.gather [hbm4b:s5+s13], $0x20, s19, s13, $0xb8;
	[tilespmem:$0x8A00] =	vst v63  }
0x24: {  	s22 =	simm.s32 $0x8480  }
0x25: {  	[tilespmem:s22], [sflag:$0x1] =	stream.indirect.gather [hbm4b:s6+s13], $0x1, s13, s13, $0xb8;
	[tilespmem:$0x8A00] =	vst v63  }
0x26: {  	s21 =	simm.s32 $0x8680  }
0x27: {  	[tilespmem:s21], [sflag:$0x1] =	stream.indirect.gather [hbm4b:s1+s13], $0x1, s19, s13, $0xb8;
	[tilespmem:$0x8A00] =	vst v63  }
0x28: {  	_ = 	snop  }
0x29: {  	[tilespmem:s24], [sflag:$0x1] =	stream.indirect.gather [hbm4b:s4+s13], $0x20, s23, s13, $0xb8;
	[tilespmem:$0x8A00] =	vst v63  }
0x2a: {  	_ = 	snop  }
0x2b: {  	[tilespmem:s26], [sflag:$0x1] =	stream.indirect.gather [hbm4b:s5+s13], $0x20, s25, s13, $0xb8;
	[tilespmem:$0x8A00] =	vst v63  }
0x2c: {  	_ = 	snop  }
0x2d: {  	[tilespmem:s28], [sflag:$0x1] =	stream.indirect.gather [hbm4b:s6+s13], $0x1, s23, s13, $0xb8;
	[tilespmem:$0x8A00] =	vst v63  }
0x2e: {  	_ = 	snop  }
0x2f: {  	[tilespmem:s29], [sflag:$0x1] =	stream.indirect.gather [hbm4b:s1+s13], $0x1, s25, s13, $0xb8;
	[tilespmem:$0x8A00] =	vst v63  }
0x30: {  	_ = 	snop  }
0x31: {  	[tilespmem:s31], [sflag:$0x1] =	stream.indirect.gather [hbm4b:s4+s13], $0x20, s30, s13, $0xb8;
	[tilespmem:$0x8A00] =	vst v63  }
0x32: {  	_ = 	snop  }
0x33: {  	[tilespmem:s3], [sflag:$0x1] =	stream.indirect.gather [hbm4b:s5+s13], $0x20, s0, s13, $0xb8;
	[tilespmem:$0x8A00] =	vst v63  }
0x34: {  	_ = 	snop  }
0x35: {  	[tilespmem:s14], [sflag:$0x1] =	stream.indirect.gather [hbm4b:s6+s13], $0x1, s30, s13, $0xb8;
	[tilespmem:$0x8A00] =	vst v63  }
0x36: {  	_ = 	snop  }
0x37: {  	[tilespmem:s15], [sflag:$0x1] =	stream.indirect.gather [hbm4b:s1+s13], $0x1, s0, s13, $0xb8;
	[tilespmem:$0x8A00] =	vst v63  }
0x38: {  	_ =	swait.ge [sflag:s16], $0x1000  }
0x39: {  	[sflag:s16] =	ssyncset.done $0x0  }
0x3a: {  	[sflag:s16] =	ssyncadd.s32 $0xFFFFF000  }
0x3b: {  	_ =	swait.ge [sflag:s16], $0x1000  }
0x3c: {  	[sflag:s16] =	ssyncset.done $0x0  }
0x3d: {  	[sflag:s16] =	ssyncadd.s32 $0xFFFFF000  }
0x3e: {  	_ =	swait.ge [sflag:s16], $0x80  }
0x3f: {  	[sflag:s16] =	ssyncset.done $0x0  }
0x40: {  	[sflag:s16] =	ssyncadd.s32 $0xFFFFFF80  }
0x41: {  	_ =	swait.ge [sflag:s16], $0x80  }
0x42: {  	[sflag:s16] =	ssyncset.done $0x0  }
0x43: {  	[sflag:s16] =	ssyncadd.s32 $0xFFFFFF80  }
0x44: {  	_ =	swait.ge [sflag:s16], $0x1000  }
0x45: {  	[sflag:s16] =	ssyncset.done $0x0  }
0x46: {  	[sflag:s16] =	ssyncadd.s32 $0xFFFFF000  }
0x47: {  	_ =	swait.ge [sflag:s16], $0x1000  }
0x48: {  	[sflag:s16] =	ssyncset.done $0x0  }
0x49: {  	[sflag:s16] =	ssyncadd.s32 $0xFFFFF000  }
0x4a: {  	_ =	swait.ge [sflag:s16], $0x80  }
0x4b: {  	[sflag:s16] =	ssyncset.done $0x0  }
0x4c: {  	[sflag:s16] =	ssyncadd.s32 $0xFFFFFF80  }
0x4d: {  	_ =	swait.ge [sflag:s16], $0x80  }
0x4e: {  	[sflag:s16] =	ssyncset.done $0x0  }
0x4f: {  	[sflag:s16] =	ssyncadd.s32 $0xFFFFFF80  }
0x50: {  	_ =	swait.ge [sflag:s16], $0x1000  }
0x51: {  	[sflag:s16] =	ssyncset.done $0x0  }
0x52: {  	[sflag:s16] =	ssyncadd.s32 $0xFFFFF000  }
0x53: {  	_ =	swait.ge [sflag:s16], $0x1000  }
0x54: {  	[sflag:s16] =	ssyncset.done $0x0  }
0x55: {  	[sflag:s16] =	ssyncadd.s32 $0xFFFFF000  }
0x56: {  	_ =	swait.ge [sflag:s16], $0x80  }
0x57: {  	[sflag:s16] =	ssyncset.done $0x0  }
0x58: {  	[sflag:s16] =	ssyncadd.s32 $0xFFFFFF80  }
0x59: {  	_ =	swait.ge [sflag:s16], $0x80  }
0x5a: {  	[sflag:s16] =	ssyncset.done $0x0  }
0x5b: {  	[sflag:s16] =	ssyncadd.s32 $0xFFFFFF80  }
0x5c: {  	_ =	swait.ge [sflag:s16], $0x1000  }
0x5d: {  	[sflag:s16] =	ssyncset.done $0x0  }
0x5e: {  	[sflag:s16] =	ssyncadd.s32 $0xFFFFF000  }
0x5f: {  	_ =	swait.ge [sflag:s16], $0x1000  }
0x60: {  	[sflag:s16] =	ssyncset.done $0x0  }
0x61: {  	[sflag:s16] =	ssyncadd.s32 $0xFFFFF000  }
0x62: {  	_ =	swait.ge [sflag:s16], $0x80  }
0x63: {  	[sflag:s16] =	ssyncset.done $0x0  }
0x64: {  	[sflag:s16] =	ssyncadd.s32 $0xFFFFFF80  }
0x65: {  	_ =	swait.ge [sflag:s16], $0x80  }
0x66: {  	[sflag:s16] =	ssyncset.done $0x0  }
0x67: {  	s22 =	simm.s32 $0x0;
	[sflag:s16] =	ssyncadd.s32 $0xFFFFFF80  }
0x68: {  	v0 =	vld [tilespmem:s22+$0x5C0]  }
0x69: {  	v1 =	vld [tilespmem:s22+$0x45C0]  }
0x6a: {  	v2 =	vld [tilespmem:s22+$0x5D0]  }
0x6b: {  	v3 =	vld [tilespmem:s22+$0x45D0]  }
0x6c: {  	v4 =	vld [tilespmem:s22+$0x5A0]  }
0x6d: {  	v5 =	vld [tilespmem:s22+$0x580]  }
0x6e: {  	v6 =	vld [tilespmem:s22+$0x4580]  }
0x6f: {  	v7 =	vld [tilespmem:s22+$0x590]  }
0x70: {  	v8 =	vld [tilespmem:s22+$0x4590]  }
0x71: {  	v9 =	vld [tilespmem:s22+$0x560]  }
0x72: {  	v10 =	vld [tilespmem:s22+$0x4560]  }
0x73: {  	v11 =	vld [tilespmem:s22+$0x570]  }
0x74: {  	v12 =	vld [tilespmem:s22+$0x4570]  }
0x75: {  	v13 =	vld [tilespmem:s22+$0x540]  }
0x76: {  	v14 =	vld [tilespmem:s22+$0x520]  }
0x77: {  	v15 =	vld [tilespmem:s22+$0x4520]  }
0x78: {  	v16 =	vld [tilespmem:s22+$0x530]  }
0x79: {  	v17 =	vld [tilespmem:s22+$0x4530]  }
0x7a: {  	v18 =	vld [tilespmem:s22+$0x500]  }
0x7b: {  	v19 =	vld [tilespmem:s22+$0x4500]  }
0x7c: {  	v20 =	vld [tilespmem:s22+$0x510]  }
0x7d: {  	v21 =	vld [tilespmem:s22+$0x4510]  }
0x7e: {  	v22 =	vld [tilespmem:s22+$0x4E0]  }
0x7f: {  	v23 =	vld [tilespmem:s22+$0x4C0]  }
0x80: {  	v24 =	vld [tilespmem:s22+$0x44C0]  }
0x81: {  	v25 =	vld [tilespmem:s22+$0x4D0]  }
0x82: {  	v26 =	vld [tilespmem:s22+$0x44D0]  }
0x83: {  	v27 =	vld [tilespmem:s22+$0x4A0]  }
0x84: {  	v28 =	vld [tilespmem:s22+$0x44A0]  }
0x85: {  	v29 =	vld [tilespmem:s22+$0x4B0]  }
0x86: {  	v30 =	vld [tilespmem:s22+$0x44B0]  }
0x87: {  	v31 =	vld [tilespmem:s22+$0x480]  }
0x88: {  	v32 =	vld [tilespmem:s22+$0x460]  }
0x89: {  	v33 =	vld [tilespmem:s22+$0x4460]  }
0x8a: {  	v34 =	vld [tilespmem:s22+$0x470]  }
0x8b: {  	v35 =	vld [tilespmem:s22+$0x4470]  }
0x8c: {  	v36 =	vld [tilespmem:s22+$0x440]  }
0x8d: {  	v37 =	vld [tilespmem:s22+$0x4440]  }
0x8e: {  	v38 =	vld [tilespmem:s22+$0x450]  }
0x8f: {  	v39 =	vld [tilespmem:s22+$0x4450]  }
0x90: {  	v40 =	vld [tilespmem:s22+$0x4400]  }
0x91: {  	v41 =	vld [tilespmem:s22+$0x400]  }
0x92: {  	v0 =	vmul.f32 v1, v0;
	v1 =	vmul.f32 v3, v2;
	v2 =	vld [tilespmem:s22+$0x410]  }
0x93: {  	v3 =	vmul.f32 v6, v5;
	v5 =	vmul.f32 v8, v7;
	v6 =	vld [tilespmem:s22+$0x4410]  }
0x94: {  	v7 =	vmul.f32 v12, v11;
	v8 =	vld [tilespmem:s22+$0x420];
	v0 =	vadd.f32 v1, v0;
	v1 =	vmul.f32 v10, v9  }
0x95: {  	v11 =	vld [tilespmem:s22+$0x430];
	v3 =	vadd.f32 v5, v3;
	v5 =	vmul.f32 v15, v14;
	v9 =	vmul.f32 v17, v16  }
0x96: {  	v12 =	vld [tilespmem:s22+$0x4430];
	(xrf2) =	vadd.scan.msk.f32 $0xffff, v0;
	v0 =	vadd.f32 v7, v1;
	v1 =	vmul.f32 v19, v18;
	v7 =	vmul.f32 v21, v20  }
0x97: {  	v10 =	vld [tilespmem:s22+$0x4420];
	(xrf2) =	vadd.scan.msk.f32 $0xffff, v3;
	v3 =	vadd.f32 v9, v5;
	v5 =	vmul.f32 v24, v23;
	v9 =	vmul.f32 v26, v25  }
0x98: {  	v14 =	vld [tilespmem:s22+$0x4480];
	(xrf2) =	vadd.scan.msk.f32 $0xffff, v0;
	v0 =	vadd.f32 v7, v1;
	v1 =	vmul.f32 v28, v27;
	v7 =	vmul.f32 v30, v29  }
0x99: {  	v15 =	vld [tilespmem:s22+$0x490];
	(xrf2) =	vadd.scan.msk.f32 $0xffff, v3;
	v3 =	vadd.f32 v9, v5;
	v5 =	vmul.f32 v33, v32;
	v9 =	vmul.f32 v35, v34  }
0x9a: {  	v16 =	vld [tilespmem:s22+$0x4490];
	(xrf2) =	vadd.scan.msk.f32 $0xffff, v0;
	v0 =	vadd.f32 v7, v1;
	v1 =	vmul.f32 v37, v36;
	v7 =	vmul.f32 v39, v38  }
0x9b: {  	v2 =	vmul.f32 v6, v2;
	v6 =	vld [tilespmem:s22+$0x44E0];
	(xrf2) =	vadd.scan.msk.f32 $0xffff, v3;
	v3 =	vadd.f32 v9, v5  }
0x9c: {  	v5 =	vmul.f32 v40, v41;
	(xrf2) =	vadd.scan.msk.f32 $0xffff, v0;
	v0 =	vadd.f32 v7, v1;
	v1 =	vmul.f32 v10, v8;
	v8 =	vld [tilespmem:s22+$0x4F0]  }
0x9d: {  	v7 =	vmul.f32 v12, v11;
	v10 =	vld [tilespmem:s22+$0x4550]  }
0x9e: {  	(xrf2) =	vadd.scan.msk.f32 $0xffff, v3;
	v2 =	vadd.f32 v2, v5;
	v3 =	vld [tilespmem:s22+$0x44F0]  }
0x9f: {  	(xrf2) =	vadd.scan.msk.f32 $0xffff, v0;
	v0 =	vadd.f32 v7, v1;
	v1 =	vld [tilespmem:s22+$0x4540]  }
0xa0: {  	v5 =	vmul.f32 v16, v15;
	v7 =	vld [tilespmem:s22+$0x550];
	(xrf2) =	vadd.scan.msk.f32 $0xffff, v2;
	v2 =	vmul.f32 v14, v31  }
0xa1: {  	v14 =	vld [tilespmem:s22+$0x45B0]  }
0xa2: {  	v9, _, _ =	vpop (xrf2);
	(xrf2) =	vadd.scan.msk.f32 $0xffff, v0;
	v2 =	vadd.f32 v5, v2;
	v5 =	vld [tilespmem:s22+$0x45A0]  }
0xa3: {  	v6 =	vmul.f32 v6, v22;
	v0, _, _ =	vpop (xrf2);
	v3 =	vmul.f32 v3, v8;
	v8 =	vld [tilespmem:s22+$0x5B0]  }
0xa4: {  	v11, _, _ =	vpop (xrf2)  }
0xa5: {  	v12, _, _ =	vpop (xrf2);
	v3 =	vadd.f32 v3, v6  }
0xa6: {  	(xrf2) =	vadd.scan.msk.f32 $0xffff, v2;
	v2, _, _ =	vpop (xrf2)  }
0xa7: {  	v1 =	vmul.f32 v1, v13;
	v7 =	vmul.f32 v10, v7;
	v15, _, _ =	vpop (xrf2)  }
0xa8: {  	v4 =	vmul.f32 v5, v4;
	v13, _, _ =	vpop (xrf2);
	v5 =	vmul.f32 v14, v8  }
0xa9: {  	v10 =	vld [tilespmem:s22+$0x45E0];
	(xrf2) =	vadd.scan.msk.f32 $0xffff, v3;
	v3, _, _ =	vpop (xrf2)  }
0xaa: {  	v6 =	vld [tilespmem:s22+$0x5E0];
	v1 =	vadd.f32 v7, v1;
	v17, _, _ =	vpop (xrf2)  }
0xab: {  	v16 =	vld [tilespmem:s22+$0x5F0];
	v8, _, _ =	vpop (xrf2)  }
0xac: {  	v7 =	vld [tilespmem:s22+$0x45F0];
	(xrf2) =	vadd.scan.msk.f32 $0xffff, v1;
	v1 =	vadd.f32 v5, v4;
	v5, _, _ =	vpop (xrf2)  }
0xad: {  	v5 =	vbroadcast v5, $0xF;
	_ =	sdelay $0x1  }
0xae: {  	v4 =	vmul.f32 v10, v6;
	v6 =	vbroadcast v8, $0xF  }
0xaf: {  	v8 =	vbroadcast v17, $0xF  }
0xb0: {  	v3 =	vbroadcast v3, $0xF;
	v7 =	vmul.f32 v7, v16;
	(xrf2) =	vadd.scan.msk.f32 $0xffff, v1;
	v1 =	vsel vm0, v6, v5;
	v5, _, _ =	vpop (xrf2)  }
0xb1: {  	v1 =	vsel vm1, v1, v8;
	v5 =	vbroadcast v5, $0xF  }
0xb2: {  	v4 =	vadd.f32 v7, v4;
	v1 =	vsel vm2, v1, v3;
	v3 =	vbroadcast v13, $0xF  }
0xb3: {  	v6, _, _ =	vpop (xrf2);
	v1 =	vsel vm3, v1, v5;
	v5 =	vbroadcast v15, $0xF  }
0xb4: {  	v1 =	vsel vm4, v1, v3;
	v3 =	vbroadcast v6, $0xF  }
0xb5: {  	v2 =	vbroadcast v2, $0xF;
	(xrf2) =	vadd.scan.msk.f32 $0xffff, v4;
	v1 =	vsel vm5, v1, v5  }
0xb6: {  	v4, _, _ =	vpop (xrf2);
	v1 =	vsel vm6, v1, v3;
	v3 =	vbroadcast v12, $0xF  }
0xb7: {  	v1 =	vsel vm7, v1, v2;
	v2 =	vbroadcast v4, $0xF  }
0xb8: {  	v1 =	vsel vm8, v1, v3;
	v3 =	vbroadcast v11, $0xF  }
0xb9: {  	v0 =	vbroadcast v0, $0xF;
	v1 =	vsel vm9, v1, v2  }
0xba: {  	v1 =	vsel vm10, v1, v3  }
0xbb: {  	v2, _, _ =	vpop (xrf2);
	v0 =	vsel vm11, v1, v0;
	v1 =	vbroadcast v9, $0xF  }
0xbc: {  	v2 =	vbroadcast v2, $0xF;
	_ =	sdelay $0x1  }
0xbd: {  	v0 =	vsel vm12, v0, v2  }
0xbe: {  	v0 =	vsel vm13, v0, v1;
	v1, _, _ =	vpop (xrf2)  }
0xbf: {  	v0 =	vsel vm14, v0, v1  }
0xc0: {  	s21 =	simm.s32 $0x200;
	[tilespmem:s17+$0x0] =	vst v0  }
0xc1: {  	v2 =	vld [tilespmem:s21+$0x5C0]  }
0xc2: {  	v3 =	vld [tilespmem:s21+$0x45C0]  }
0xc3: {  	v5 =	vld [tilespmem:s21+$0x5D0]  }
0xc4: {  	v6 =	vld [tilespmem:s21+$0x45D0]  }
0xc5: {  	v0 =	vld [tilespmem:s21+$0x5A0]  }
0xc6: {  	v7 =	vld [tilespmem:s21+$0x580]  }
0xc7: {  	v8 =	vld [tilespmem:s21+$0x4580]  }
0xc8: {  	v9 =	vld [tilespmem:s21+$0x590]  }
0xc9: {  	v10 =	vld [tilespmem:s21+$0x4590]  }
0xca: {  	v11 =	vld [tilespmem:s21+$0x560]  }
0xcb: {  	v12 =	vld [tilespmem:s21+$0x4560]  }
0xcc: {  	v13 =	vld [tilespmem:s21+$0x570]  }
0xcd: {  	v14 =	vld [tilespmem:s21+$0x4570]  }
0xce: {  	v1 =	vld [tilespmem:s21+$0x540]  }
0xcf: {  	v15 =	vld [tilespmem:s21+$0x520]  }
0xd0: {  	v16 =	vld [tilespmem:s21+$0x4520]  }
0xd1: {  	v17 =	vld [tilespmem:s21+$0x530]  }
0xd2: {  	v18 =	vld [tilespmem:s21+$0x4530]  }
0xd3: {  	v19 =	vld [tilespmem:s21+$0x500]  }
0xd4: {  	v54 =	vld [tilespmem:s21+$0x4500]  }
0xd5: {  	v55 =	vld [tilespmem:s21+$0x510]  }
0xd6: {  	v56 =	vld [tilespmem:s21+$0x4510]  }
0xd7: {  	v4 =	vld [tilespmem:s21+$0x4E0]  }
0xd8: {  	v57 =	vld [tilespmem:s21+$0x4C0]  }
0xd9: {  	v58 =	vld [tilespmem:s21+$0x44C0]  }
0xda: {  	v59 =	vld [tilespmem:s21+$0x4D0]  }
0xdb: {  	v60 =	vld [tilespmem:s21+$0x44D0];
	v2 =	vmul.f32 v3, v2;
	v3 =	vmul.f32 v6, v5  }
0xdc: {  	v61 =	vld [tilespmem:s21+$0x4A0];
	v6 =	vmul.f32 v8, v7;
	v8 =	vmul.f32 v10, v9  }
0xdd: {  	v62 =	vld [tilespmem:s21+$0x44A0];
	v2 =	vadd.f32 v3, v2  }
0xde: {  	v63 =	vld [tilespmem:s21+$0x4450];
	v9 =	vmul.f32 v14, v13;
	v3 =	vmul.f32 v12, v11;
	v6 =	vadd.f32 v8, v6  }
0xdf: {  	v5 =	vld [tilespmem:s21+$0x4B0];
	v8 =	vmul.f32 v16, v15;
	v11 =	vmul.f32 v18, v17;
	(xrf2) =	vadd.scan.msk.f32 $0xffff, v2  }
0xe0: {  	v10 =	vld [tilespmem:s21+$0x44B0];
	v2 =	vadd.f32 v9, v3;
	(xrf2) =	vadd.scan.msk.f32 $0xffff, v6  }
0xe1: {  	v7 =	vld [tilespmem:s21+$0x480];
	v3 =	vadd.f32 v11, v8  }
0xe2: {  	v13 =	vld [tilespmem:s21+$0x460];
	(xrf2) =	vadd.scan.msk.f32 $0xffff, v2  }
0xe3: {  	v14 =	vld [tilespmem:s21+$0x4460];
	v2 =	vmul.f32 v54, v19;
	(xrf2) =	vadd.scan.msk.f32 $0xffff, v3;
	v3 =	vmul.f32 v56, v55  }
0xe4: {  	v16 =	vld [tilespmem:s21+$0x440]  }
0xe5: {  	v11 =	vld [tilespmem:s21+$0x4470];
	v3 =	vadd.f32 v3, v2  }
0xe6: {  	v12 =	vmul.f32 v58, v57;
	v15 =	vmul.f32 v60, v59;
	v6 =	vld [tilespmem:s21+$0x470]  }
0xe7: {  	v17 =	vld [tilespmem:s21+$0x4440];
	(xrf2) =	vadd.scan.msk.f32 $0xffff, v3  }
0xe8: {  	v18 =	vld [tilespmem:s21+$0x450];
	v15 =	vadd.f32 v15, v12  }
0xe9: {  	v8 =	vld [tilespmem:s21+$0x4400];
	v5 =	vmul.f32 v10, v5;
	v19 =	vmul.f32 v62, v61;
	v2, _, _ =	vpop (xrf2)  }
0xea: {  	v9 =	vld [tilespmem:s21+$0x400];
	v3, _, _ =	vpop (xrf2);
	(xrf2) =	vadd.scan.msk.f32 $0xffff, v15  }
0xeb: {  	v12 =	vld [tilespmem:s21+$0x4410];
	v19 =	vadd.f32 v5, v19;
	v6 =	vmul.f32 v11, v6  }
0xec: {  	v10 =	vld [tilespmem:s21+$0x410];
	v14 =	vmul.f32 v14, v13  }
0xed: {  	v13 =	vld [tilespmem:s21+$0x4420];
	(xrf2) =	vadd.scan.msk.f32 $0xffff, v19  }
0xee: {  	v11 =	vld [tilespmem:s21+$0x420];
	v15 =	vadd.f32 v6, v14;
	v5, _, _ =	vpop (xrf2)  }
0xef: {  	s20 =	simm.s32 $0x8800;
	s22 =	simm.s32 $0x1000;
	v16 =	vmul.f32 v17, v16;
	v17 =	vmul.f32 v63, v18;
	v14 =	vld [tilespmem:s21+$0x430];
	v6, _, _ =	vpop (xrf2)  }
.LBB2_2:
0xf0: {  	p0 =	sne.s32 s22, $0xF800;
	v18 =	vld [tilespmem:s21+$0x4430];
	(xrf2) =	vadd.scan.msk.f32 $0xffff, v15  }
0xf1: {  	v19 =	vadd.f32 v17, v16;
	v16 =	vld [tilespmem:s21+$0x4480];
	v17, _, _ =	vpop (xrf2)  }
0xf2: {  	v8 =	vmul.f32 v8, v9;
	v9 =	vmul.f32 v12, v10;
	v10 =	vld [tilespmem:s21+$0x490]  }
0xf3: {  	v12 =	vld [tilespmem:s21+$0x4490];
	(xrf2) =	vadd.scan.msk.f32 $0xffff, v19  }
0xf4: {  	v8 =	vadd.f32 v9, v8;
	v9 =	vld [tilespmem:s21+$0x44E0];
	v15, _, _ =	vpop (xrf2)  }
0xf5: {  	v11 =	vmul.f32 v13, v11;
	v19 =	vmul.f32 v18, v14;
	v14 =	vld [tilespmem:s21+$0x4F0]  }
0xf6: {  	v18 =	vld [tilespmem:s21+$0x44F0];
	(xrf2) =	vadd.scan.msk.f32 $0xffff, v8  }
0xf7: {  	v8 =	vadd.f32 v19, v11;
	v11 =	vld [tilespmem:s21+$0x4540];
	v13, _, _ =	vpop (xrf2)  }
0xf8: {  	v7 =	vmul.f32 v16, v7;
	v19 =	vmul.f32 v12, v10;
	v12 =	vld [tilespmem:s21+$0x550]  }
0xf9: {  	v16 =	vld [tilespmem:s21+$0x4550];
	(xrf2) =	vadd.scan.msk.f32 $0xffff, v8  }
0xfa: {  	v7 =	vadd.f32 v19, v7;
	v8 =	vld [tilespmem:s21+$0x45A0];
	v10, _, _ =	vpop (xrf2)  }
0xfb: {  	v4 =	vmul.f32 v9, v4;
	v19 =	vmul.f32 v18, v14;
	v14 =	vld [tilespmem:s21+$0x5B0]  }
0xfc: {  	v18 =	vld [tilespmem:s21+$0x45B0];
	(xrf2) =	vadd.scan.msk.f32 $0xffff, v7  }
0xfd: {  	v4 =	vadd.f32 v19, v4;
	v7 =	vld [tilespmem:s21+$0x5E0];
	v9, _, _ =	vpop (xrf2)  }
0xfe: {  	v1 =	vmul.f32 v11, v1;
	v19 =	vmul.f32 v16, v12;
	v12 =	vld [tilespmem:s21+$0x45E0]  }
0xff: {  	v16 =	vld [tilespmem:s21+$0x5F0];
	(xrf2) =	vadd.scan.msk.f32 $0xffff, v4  }
0x100: {  	v1 =	vadd.f32 v19, v1;
	v4 =	vld [tilespmem:s21+$0x45F0];
	v11, _, _ =	vpop (xrf2)  }
0x101: {  	v0 =	vmul.f32 v8, v0;
	v8 =	vmul.f32 v18, v14  }
0x102: {  	(xrf2) =	vadd.scan.msk.f32 $0xffff, v1  }
0x103: {  	v0 =	vadd.f32 v8, v0;
	v1 =	vmul.f32 v12, v7;
	v7, _, _ =	vpop (xrf2)  }
0x104: {  	v11 =	vbroadcast v11, $0xF;
	v7 =	vbroadcast v7, $0xF  }
0x105: {  	v9 =	vbroadcast v9, $0xF;
	v4 =	vmul.f32 v4, v16;
	(xrf2) =	vadd.scan.msk.f32 $0xffff, v0  }
0x106: {  	v0 =	vsel vm0, v11, v7;
	v7 =	vbroadcast v10, $0xF;
	v8, _, _ =	vpop (xrf2)  }
0x107: {  	v0 =	vsel vm1, v0, v9;
	v9 =	vbroadcast v8, $0xF;
	v1 =	vadd.f32 v4, v1  }
0x108: {  	v4 =	vbroadcast v13, $0xF;
	v0 =	vsel vm2, v0, v7  }
0x109: {  	v7 =	vbroadcast v15, $0xF;
	v0 =	vsel vm3, v0, v9;
	v8, _, _ =	vpop (xrf2);
	(xrf2) =	vadd.scan.msk.f32 $0xffff, v1  }
0x10a: {  	v0 =	vsel vm4, v0, v4;
	v1 =	vbroadcast v8, $0xF  }
0x10b: {  	v4 =	vbroadcast v17, $0xF;
	v0 =	vsel vm5, v0, v7  }
0x10c: {  	v0 =	vsel vm6, v0, v1;
	v1 =	vbroadcast v6, $0xF;
	v6, _, _ =	vpop (xrf2)  }
0x10d: {  	v0 =	vsel vm7, v0, v4;
	v6 =	vbroadcast v6, $0xF  }
0x10e: {  	v0 =	vsel vm8, v0, v1;
	v1 =	vbroadcast v5, $0xF  }
0x10f: {  	v3 =	vbroadcast v3, $0xF;
	v0 =	vsel vm9, v0, v6;
	v4, _, _ =	vpop (xrf2)  }
0x110: {  	v0 =	vsel vm10, v0, v1;
	v4 =	vbroadcast v4, $0xF  }
0x111: {  	v2 =	vbroadcast v2, $0xF;
	v0 =	vsel vm11, v0, v3  }
0x112: {  	v0 =	vsel vm12, v0, v4  }
0x113: {  	v0 =	vsel vm13, v0, v2;
	v1, _, _ =	vpop (xrf2)  }
0x114: {  	s20 =	sadd.s32 $0x10, s20;
	v0 =	vsel vm14, v0, v1  }
0x115: {  	s21 =	sshra.s32 s22, $0x2;
	[tilespmem:s20+$0x0] =	vst v0  }
0x116: {  	v2 =	vld [tilespmem:s21+$0x5C0]  }
0x117: {  	v3 =	vld [tilespmem:s21+$0x45C0]  }
0x118: {  	v5 =	vld [tilespmem:s21+$0x5D0]  }
0x119: {  	v6 =	vld [tilespmem:s21+$0x45D0]  }
0x11a: {  	v0 =	vld [tilespmem:s21+$0x5A0]  }
0x11b: {  	v7 =	vld [tilespmem:s21+$0x580]  }
0x11c: {  	v8 =	vld [tilespmem:s21+$0x4580]  }
0x11d: {  	v9 =	vld [tilespmem:s21+$0x590]  }
0x11e: {  	v10 =	vld [tilespmem:s21+$0x4590]  }
0x11f: {  	v11 =	vld [tilespmem:s21+$0x560]  }
0x120: {  	v12 =	vld [tilespmem:s21+$0x4560]  }
0x121: {  	v13 =	vld [tilespmem:s21+$0x570]  }
0x122: {  	v14 =	vld [tilespmem:s21+$0x4570]  }
0x123: {  	v1 =	vld [tilespmem:s21+$0x540]  }
0x124: {  	v15 =	vld [tilespmem:s21+$0x520]  }
0x125: {  	v16 =	vld [tilespmem:s21+$0x4520]  }
0x126: {  	v17 =	vld [tilespmem:s21+$0x530]  }
0x127: {  	v18 =	vld [tilespmem:s21+$0x4530]  }
0x128: {  	v19 =	vld [tilespmem:s21+$0x500]  }
0x129: {  	v20 =	vld [tilespmem:s21+$0x4500]  }
0x12a: {  	v21 =	vld [tilespmem:s21+$0x510]  }
0x12b: {  	v22 =	vld [tilespmem:s21+$0x4510]  }
0x12c: {  	v2 =	vmul.f32 v3, v2;
	v3 =	vmul.f32 v6, v5;
	v4 =	vld [tilespmem:s21+$0x4E0]  }
0x12d: {  	v5 =	vld [tilespmem:s21+$0x4C0]  }
0x12e: {  	v2 =	vadd.f32 v3, v2;
	v6 =	vld [tilespmem:s21+$0x44C0]  }
0x12f: {  	v7 =	vmul.f32 v8, v7;
	v8 =	vmul.f32 v10, v9;
	v3 =	vld [tilespmem:s21+$0x4D0]  }
0x130: {  	v9 =	vld [tilespmem:s21+$0x44D0];
	(xrf2) =	vadd.scan.msk.f32 $0xffff, v2  }
0x131: {  	v2 =	vadd.f32 v8, v7;
	v10 =	vld [tilespmem:s21+$0x4A0]  }
0x132: {  	v7 =	vmul.f32 v12, v11;
	v8 =	vmul.f32 v14, v13;
	v23 =	vld [tilespmem:s21+$0x44A0]  }
0x133: {  	v11 =	vld [tilespmem:s21+$0x4B0];
	(xrf2) =	vadd.scan.msk.f32 $0xffff, v2  }
0x134: {  	v2 =	vadd.f32 v8, v7;
	v12 =	vld [tilespmem:s21+$0x44B0]  }
0x135: {  	v13 =	vmul.f32 v18, v17;
	v8 =	vmul.f32 v16, v15;
	v7 =	vld [tilespmem:s21+$0x480]  }
0x136: {  	v14 =	vld [tilespmem:s21+$0x460];
	(xrf2) =	vadd.scan.msk.f32 $0xffff, v2  }
0x137: {  	v24 =	vadd.f32 v13, v8;
	v15 =	vld [tilespmem:s21+$0x4460]  }
0x138: {  	v16 =	vmul.f32 v22, v21;
	v8 =	vmul.f32 v20, v19;
	v13 =	vld [tilespmem:s21+$0x470]  }
0x139: {  	v17 =	vld [tilespmem:s21+$0x4470];
	(xrf2) =	vadd.scan.msk.f32 $0xffff, v24  }
0x13a: {  	v8 =	vadd.f32 v16, v8;
	v18 =	vld [tilespmem:s21+$0x440];
	v2, _, _ =	vpop (xrf2)  }
0x13b: {  	v5 =	vmul.f32 v6, v5;
	v6 =	vmul.f32 v9, v3;
	v16 =	vld [tilespmem:s21+$0x4440]  }
0x13c: {  	v19 =	vld [tilespmem:s21+$0x450];
	(xrf2) =	vadd.scan.msk.f32 $0xffff, v8  }
0x13d: {  	v21 =	vadd.f32 v6, v5;
	v20 =	vld [tilespmem:s21+$0x4450];
	v3, _, _ =	vpop (xrf2)  }
0x13e: {  	v6 =	vmul.f32 v23, v10;
	v11 =	vmul.f32 v12, v11;
	v8 =	vld [tilespmem:s21+$0x4400]  }
0x13f: {  	v9 =	vld [tilespmem:s21+$0x400];
	(xrf2) =	vadd.scan.msk.f32 $0xffff, v21  }
.Ltmp0:
0x140: {  	v21 =	vadd.f32 v11, v6;
	v10 =	vld [tilespmem:s21+$0x410];
	v5, _, _ =	vpop (xrf2);
	(pc) =	sbr.rel @p0 .LBB2_2-.Ltmp0, $4  }
0x141: {  	v14 =	vmul.f32 v15, v14;
	v15 =	vmul.f32 v17, v13;
	v12 =	vld [tilespmem:s21+$0x4410]  }
0x142: {  	v11 =	vld [tilespmem:s21+$0x420];
	(xrf2) =	vadd.scan.msk.f32 $0xffff, v21  }
0x143: {  	v15 =	vadd.f32 v15, v14;
	v13 =	vld [tilespmem:s21+$0x4420];
	v6, _, _ =	vpop (xrf2)  }
0x144: {  	s22 =	sadd.s32 $0x800, s22;
	v16 =	vmul.f32 v16, v18;
	v17 =	vmul.f32 v20, v19;
	v14 =	vld [tilespmem:s21+$0x430]  }
0x145: {  	v18 =	vld [tilespmem:s21+$0x4430]  }
0x146: {  	v19 =	vld [tilespmem:s21+$0x4480]  }
0x147: {  	v20 =	vld [tilespmem:s21+$0x490]  }
0x148: {  	v21 =	vld [tilespmem:s21+$0x4490]  }
0x149: {  	v8 =	vmul.f32 v8, v9;
	v63 =	vld [tilespmem:s21+$0x44E0];
	v62 =	vmul.f32 v12, v10  }
0x14a: {  	v24 =	vld [tilespmem:s21+$0x4F0];
	v22 =	vadd.f32 v17, v16;
	v11 =	vmul.f32 v13, v11;
	v23 =	vmul.f32 v18, v14  }
0x14b: {  	(xrf2) =	vadd.scan.msk.f32 $0xffff, v15;
	v25 =	vld [tilespmem:s21+$0x44F0];
	v8 =	vadd.f32 v62, v8  }
0x14c: {  	v26 =	vld [tilespmem:s21+$0x4540];
	(xrf2) =	vadd.scan.msk.f32 $0xffff, v22;
	v11 =	vadd.f32 v23, v11  }
0x14d: {  	v28 =	vld [tilespmem:s21+$0x550];
	(xrf2) =	vadd.scan.msk.f32 $0xffff, v8;
	v7 =	vmul.f32 v19, v7;
	v27 =	vmul.f32 v21, v20  }
0x14e: {  	v29 =	vld [tilespmem:s21+$0x4550];
	(xrf2) =	vadd.scan.msk.f32 $0xffff, v11  }
0x14f: {  	v30 =	vld [tilespmem:s21+$0x45A0];
	v7 =	vadd.f32 v27, v7  }
0x150: {  	v31 =	vld [tilespmem:s21+$0x5B0];
	v4 =	vmul.f32 v63, v4;
	v9 =	vmul.f32 v25, v24  }
0x151: {  	v32 =	vld [tilespmem:s21+$0x45B0];
	(xrf2) =	vadd.scan.msk.f32 $0xffff, v7  }
0x152: {  	v34 =	vld [tilespmem:s21+$0x5E0];
	v33, _, _ =	vpop (xrf2);
	v4 =	vadd.f32 v9, v4  }
0x153: {  	v37 =	vld [tilespmem:s21+$0x45E0];
	v35, _, _ =	vpop (xrf2);
	v1 =	vmul.f32 v26, v1;
	v36 =	vmul.f32 v29, v28  }
0x154: {  	v39 =	vld [tilespmem:s21+$0x5F0];
	v38, _, _ =	vpop (xrf2);
	(xrf2) =	vadd.scan.msk.f32 $0xffff, v4  }
0x155: {  	v41 =	vld [tilespmem:s21+$0x45F0];
	v1 =	vadd.f32 v36, v1;
	v40, _, _ =	vpop (xrf2)  }
0x156: {  	v0 =	vmul.f32 v30, v0;
	v43 =	vmul.f32 v32, v31;
	v42, _, _ =	vpop (xrf2)  }
0x157: {  	(xrf2) =	vadd.scan.msk.f32 $0xffff, v1;
	v44, _, _ =	vpop (xrf2)  }
0x158: {  	v45 =	vmul.f32 v37, v34;
	v0 =	vadd.f32 v43, v0;
	v46, _, _ =	vpop (xrf2)  }
0x159: {  	v47 =	vbroadcast v44, $0xF;
	v8 =	vbroadcast v46, $0xF  }
0x15a: {  	v49 =	vmul.f32 v41, v39;
	(xrf2) =	vadd.scan.msk.f32 $0xffff, v0;
	v48 =	vbroadcast v42, $0xF  }
0x15b: {  	v4 =	vbroadcast v40, $0xF;
	v51, _, _ =	vpop (xrf2);
	v50 =	vsel vm0, v47, v8  }
0x15c: {  	v1 =	vadd.f32 v49, v45;
	v8 =	vbroadcast v51, $0xF;
	v0 =	vsel vm1, v50, v48  }
0x15d: {  	v52 =	vbroadcast v38, $0xF;
	v0 =	vsel vm2, v0, v4  }
0x15e: {  	v53 =	vbroadcast v35, $0xF;
	v54, _, _ =	vpop (xrf2);
	(xrf2) =	vadd.scan.msk.f32 $0xffff, v1;
	v0 =	vsel vm3, v0, v8  }
0x15f: {  	v55 =	vbroadcast v54, $0xF;
	v0 =	vsel vm4, v0, v52  }
0x160: {  	v56 =	vbroadcast v33, $0xF;
	v0 =	vsel vm5, v0, v53  }
0x161: {  	v57 =	vbroadcast v6, $0xF;
	v58, _, _ =	vpop (xrf2);
	v0 =	vsel vm6, v0, v55  }
0x162: {  	v59 =	vbroadcast v58, $0xF;
	v0 =	vsel vm7, v0, v56  }
0x163: {  	v60 =	vbroadcast v5, $0xF;
	v0 =	vsel vm8, v0, v57  }
0x164: {  	v3 =	vbroadcast v3, $0xF;
	v61, _, _ =	vpop (xrf2);
	v0 =	vsel vm9, v0, v59  }
0x165: {  	v62 =	vbroadcast v61, $0xF;
	v0 =	vsel vm10, v0, v60  }
0x166: {  	v2 =	vbroadcast v2, $0xF;
	v0 =	vsel vm11, v0, v3  }
0x167: {  	v0 =	vsel vm12, v0, v62  }
0x168: {  	s18 =	sadd.s32 $0x1, s18;
	v63, _, _ =	vpop (xrf2);
	v0 =	vsel vm13, v0, v2  }
0x169: {  	s20 =	sadd.s32 $0x10, s20;
	p0 =	sne.s32 s18, s10;
	v0 =	vsel vm14, v0, v63  }
.Ltmp1:
0x16a: {  	[tilespmem:s20+$0x0] =	vst v0;
	(pc) =	sbr.rel @p0 .LBB2_1-.Ltmp1, $4  }
0x16b: {  	[hbm4b:s9+s2] =	stream.linear.scatter [tilespmem:s17], [sflag:$0x2], $0x200, $0x38;
	[tilespmem:$0x8A00] =	vst v63  }
0x16c: {  	_ =	swait.ge [sflag:s11], $0x200  }
0x16d: {  	[sflag:s11] =	ssyncset.done $0x0  }
0x16e: {  	[sflag:s11] =	ssyncadd.s32 $0xFFFFFE00  }
0x16f: {  	_ =	sfence.sel $0x180000  }
0x170: {  	[bflag:$0x0] =	sbarrier.arrive $0xFFFF  }
0x171: {  	_ =	strace $0x90000047  }
0x172: {  	s0 =	stileid.u32;
	[bflag:$0x2] =	sbarrier.arrive $0xFFFF  }
0x173: {  	p0 =	sne.s32 s0, $0x0;
	s0 =	rddreg [dreg:$0x4]  }
0x174: {  	s0 =	sadd.s32 @!p0 $0x100000, s0  }
0x175: {  	[sflag:s0] =	ssyncadd.tile.s32 @!p0 $0x1;
	_ =	shalt  }
.Lfunc_end2:
_tile_overlayer_lowered:
.L_overlay_start_2:
0x176: {  	(tag) =	ssettag $0x2  }
0x177: {  	s0 =	rddreg [dreg:$0x0];
	s2 =	stileid.u32  }
0x178: {  	s1 =	rddreg [dreg:$0x1];
	p0 =	sne.s32 s2, $0x0  }
0x179: {  	s3 =	rddreg [dreg:$0x2];
	[bflag:$0x3] =	sbarrier.arrive $0xFFFF;
	s2 =	simm.s32 @!p0 $0x1C02  }
0x17a: {  	[timem:s3], [sflag:s2] =	dma.local @!p0 [hbm:s0], s1  }
0x17b: {  	s0 =	simm.s32 @!p0 $0x2  }
0x17c: {  	_ =	swait.ge @!p0 [sflag:s0], s1  }
0x17d: {  	s1 =	ssub.s32 @!p0 $0x0, s1;
	[sflag:s0] =	ssyncset.done @!p0 $0x0  }
0x17e: {  	[sflag:s0] =	ssyncadd.s32 @!p0 s1  }
0x17f: {  	[bflag:$0x3] =	sbarrier.arrive $0xFFFF  }
0x180: {  	_ =	shalt  }

</sc_bundles>
